<compile_context>
chip_gen: v7x
topology: tpu7x:2x2x1
jax: 0.10.2.dev20260603
libtpu: 0.0.44.dev20260713+nightly
codegen_flags: <defaults>
</compile_context>

<pallas_src>
import functools

import jax
import jax.numpy as jnp
from jax import lax
from jax.experimental import pallas as pl
from jax.experimental.pallas import tpu as pltpu, tpu_sc as plsc

_CHUNK = 256


def _sc_gather_all(tail_idx, head_idx, rel_idx, entity_embedding,
                   relation_embedding, origin_relation_embedding):
    N = tail_idx.shape[0]
    B = head_idx.shape[0]
    D = entity_embedding.shape[1]

    info = plsc.get_sparse_core_info()
    NC, NS = info.num_cores, info.num_subcores
    NW = NC * NS
    n_per_w = N // NW
    b_per_w = B // NW
    n_full = n_per_w // _CHUNK
    rem = n_per_w - n_full * _CHUNK

    mesh = plsc.VectorSubcoreMesh(core_axis_name="c", subcore_axis_name="s")

    @functools.partial(
        pl.kernel,
        mesh=mesh,
        out_type=(
            jax.ShapeDtypeStruct((N, D), jnp.float32),
            jax.ShapeDtypeStruct((B, 1, D), jnp.float32),
            jax.ShapeDtypeStruct((B, 1, D), jnp.float32),
            jax.ShapeDtypeStruct((B, 1, D), jnp.float32),
        ),
        scratch_types=[
            pltpu.VMEM((n_per_w,), jnp.int32),
            pltpu.VMEM((3, _CHUNK, D), jnp.float32),
            pltpu.VMEM((rem, D), jnp.float32),
            pltpu.VMEM((b_per_w,), jnp.int32),
            pltpu.VMEM((b_per_w,), jnp.int32),
            pltpu.VMEM((b_per_w, D), jnp.float32),
            pltpu.SemaphoreType.DMA,
            pltpu.SemaphoreType.DMA,
            pltpu.SemaphoreType.DMA,
            pltpu.SemaphoreType.DMA,
            pltpu.SemaphoreType.DMA,
        ],
    )
    def k(tail_idx_hbm, head_idx_hbm, rel_idx_hbm, ent_hbm, rel_hbm, orig_hbm,
          tail_out, head_out, rel_out, orig_out,
          tidx_v, trows_v, rrows_v, hidx_v, ridx_v, srows_v,
          sem, gsem, wsem0, wsem1, wsem2):
        wsem = (wsem0, wsem1, wsem2)
        wid = lax.axis_index("s") * NC + lax.axis_index("c")
        base = wid * n_per_w
        sbase = wid * b_per_w

        pltpu.sync_copy(tail_idx_hbm.at[pl.ds(base, n_per_w)], tidx_v)
        pltpu.sync_copy(head_idx_hbm.at[pl.ds(sbase, b_per_w)], hidx_v)
        pltpu.sync_copy(rel_idx_hbm.at[pl.ds(sbase, b_per_w)], ridx_v)

        def start_gather(c, p):
            pltpu.make_async_copy(
                ent_hbm.at[tidx_v.at[pl.ds(c * _CHUNK, _CHUNK)]],
                trows_v.at[p], gsem).start()

        def wait_gather(p):
            pltpu.make_async_copy(
                ent_hbm.at[tidx_v.at[pl.ds(0, _CHUNK)]], trows_v.at[p],
                gsem).wait()

        def start_write(c, p):
            pltpu.make_async_copy(
                trows_v.at[p], tail_out.at[pl.ds(base + c * _CHUNK, _CHUNK)],
                wsem[p]).start()

        def wait_write(p):
            pltpu.make_async_copy(
                ent_hbm.at[pl.ds(0, _CHUNK)],
                tail_out.at[pl.ds(base, _CHUNK)], wsem[p]).wait()

        start_gather(0, 0)
        pltpu.async_copy(ent_hbm.at[hidx_v], srows_v, sem).wait()
        pltpu.sync_copy(srows_v, head_out.at[pl.ds(sbase, b_per_w), 0])
        pltpu.async_copy(rel_hbm.at[ridx_v], srows_v, sem).wait()
        pltpu.sync_copy(srows_v, rel_out.at[pl.ds(sbase, b_per_w), 0])
        pltpu.async_copy(orig_hbm.at[ridx_v], srows_v, sem).wait()
        pltpu.sync_copy(srows_v, orig_out.at[pl.ds(sbase, b_per_w), 0])
        roff = n_full * _CHUNK
        if rem:
            pltpu.make_async_copy(
                ent_hbm.at[tidx_v.at[pl.ds(roff, rem)]], rrows_v, sem).start()

        def step(c, p, wait_prev, fire_next):
            p1 = (p + 1) % 3
            wait_gather(p)
            if wait_prev:
                wait_write(p1)
            if fire_next:
                start_gather(c + 1, p1)
            start_write(c, p)

        step(0, 0, False, True)
        step(1, 1, False, True)
        step(2, 2, True, True)

        def body(g, _):
            for j in range(3):
                step(3 + 3 * g + j, j, True, True)
            return 0

        lax.fori_loop(0, (n_full - 5) // 3, body, 0)

        step(n_full - 2, (n_full - 2) % 3, True, True)
        step(n_full - 1, (n_full - 1) % 3, True, False)
        wait_write((n_full - 2) % 3)
        wait_write((n_full - 1) % 3)

        if rem:
            pltpu.make_async_copy(
                ent_hbm.at[tidx_v.at[pl.ds(roff, rem)]], rrows_v, sem).wait()
            pltpu.sync_copy(rrows_v, tail_out.at[pl.ds(base + roff, rem)])

    return k(tail_idx, head_idx, rel_idx, entity_embedding,
             relation_embedding, origin_relation_embedding)


def kernel(positive, negative, entity_embedding, relation_embedding,
           origin_relation_embedding):
    B, K = negative.shape[0], negative.shape[1] + 1
    D = entity_embedding.shape[1]
    tail_idx = jnp.concatenate(
        [positive[:, 2:3], negative], axis=1).T.reshape(-1)
    head_idx = positive[:, 0]
    rel_idx = positive[:, 1]
    tail, head, rel, orig = _sc_gather_all(
        tail_idx, head_idx, rel_idx, entity_embedding, relation_embedding,
        origin_relation_embedding)
    return (head, rel, tail.reshape(K, B, D).transpose(1, 0, 2), orig)

# --- scband reference (transcript-rebuilt; emitter-appended) ---
"""Pipeline reference for scband-kdmanager-reverse-stastic-1511828488502 (READ-ONLY COPY).

The authoritative reference and input builder live on the scoring server;
editing this copy changes nothing except your own understanding.
"""

import jax, jax.numpy as jnp
import numpy as np

NENTITY = 1000000
NRELATION = 1000
TARGET_DIM = 128
ENTITY_MUL = 1
RELATION_MUL = 1
INIT_SIZE = 0.001
BATCH = 1024
NEG = 256


def setup_inputs(seed: int = 0) -> dict:
    key = jax.random.key(seed)
    k1, k2, k3, k4, k5 = jax.random.split(key, 5)
    positive = jax.random.randint(k1, (BATCH, 3), 0, 1000, dtype=jnp.int64 if jax.config.jax_enable_x64 else jnp.int32).astype(jnp.int32)
    negative = jax.random.randint(k2, (BATCH, NEG), 0, NENTITY, dtype=jnp.int32)
    entity_embedding = INIT_SIZE * jax.random.normal(k3, (NENTITY, TARGET_DIM * ENTITY_MUL), dtype=jnp.float32)
    relation_embedding = INIT_SIZE * jax.random.normal(k4, (NRELATION, TARGET_DIM * RELATION_MUL), dtype=jnp.float32)
    origin_relation_embedding = INIT_SIZE * jax.random.normal(k5, (NRELATION, TARGET_DIM), dtype=jnp.float32)
    return {
        "positive": positive,
        "negative": negative,
        "entity_embedding": entity_embedding,
        "relation_embedding": relation_embedding,
        "origin_relation_embedding": origin_relation_embedding,
    }


def reference(positive, negative, entity_embedding, relation_embedding, origin_relation_embedding):
    batch_size, negative_sample_size = negative.shape
    # EntityEmbeddingExtract
    neg_tail = jnp.take(entity_embedding, negative.reshape(-1), axis=0).reshape(batch_size, negative_sample_size, -1)
    pos_tail = jnp.take(entity_embedding, positive[:, 2], axis=0)[:, None, :]
    tail = jnp.concatenate((pos_tail, neg_tail), axis=1)
    head = jnp.take(entity_embedding, positive[:, 0], axis=0)[:, None, :]
    # RelationEmbeddingExtract (trainable table)
    relation = jnp.take(relation_embedding, positive[:, 1], axis=0)[:, None, :]
    # RelationEmbeddingExtract (frozen pretrained table)
    origin_relation = jnp.take(origin_relation_embedding, positive[:, 1], axis=0)[:, None, :]
    return (head, relation, tail, origin_relation)


if False:  # reference __main__ guard neutralized (emitter)
    out = reference(**setup_inputs())
    for o in out:
        print(o.shape, o.dtype)

if __name__ == "__main__":
    import jax
    _d = setup_inputs()
    print(jax.jit(kernel)(*tuple(_d.values())))

</pallas_src>

<mosaic_0001>
#map = affine_map<(d0, d1) -> (0)>
#map1 = affine_map<(d0, d1) -> (0, 0)>
#map2 = affine_map<(d0, d1) -> (0, 0, 0)>
module attributes {stable_mosaic.version = 14 : i64} {
  func.func @k(%arg0: i32, %arg1: i32, %arg2: memref<263168xi32, #tpu.memory_space<hbm>>, %arg3: memref<1024xi32, #tpu.memory_space<hbm>>, %arg4: memref<1024xi32, #tpu.memory_space<hbm>>, %arg5: memref<1000000x128xf32, #tpu.memory_space<hbm>>, %arg6: memref<1000x128xf32, #tpu.memory_space<hbm>>, %arg7: memref<1000x128xf32, #tpu.memory_space<hbm>>, %arg8: memref<263168x128xf32, #tpu.memory_space<hbm>>, %arg9: memref<1024x1x128xf32, #tpu.memory_space<hbm>>, %arg10: memref<1024x1x128xf32, #tpu.memory_space<hbm>>, %arg11: memref<1024x1x128xf32, #tpu.memory_space<hbm>>, %arg12: memref<8224xi32, #tpu.memory_space<vmem>>, %arg13: memref<3x256x128xf32, #tpu.memory_space<vmem>>, %arg14: memref<32x128xf32, #tpu.memory_space<vmem>>, %arg15: memref<32xi32, #tpu.memory_space<vmem>>, %arg16: memref<32xi32, #tpu.memory_space<vmem>>, %arg17: memref<32x128xf32, #tpu.memory_space<vmem>>, %arg18: memref<!tpu.dma_semaphore, #tpu.memory_space<semaphore_mem>>, %arg19: memref<!tpu.dma_semaphore, #tpu.memory_space<semaphore_mem>>, %arg20: memref<!tpu.dma_semaphore, #tpu.memory_space<semaphore_mem>>, %arg21: memref<!tpu.dma_semaphore, #tpu.memory_space<semaphore_mem>>, %arg22: memref<!tpu.dma_semaphore, #tpu.memory_space<semaphore_mem>>) attributes {dimension_semantics = [#tpu.dimension_semantics<core_parallel>, #tpu.dimension_semantics<subcore_parallel>], iteration_bounds = array<i64: 2, 16>, scalar_prefetch = 0 : i64, scratch_operands = 11 : i64, tpu.core_type = #tpu.core_type<sc_vector_subcore>, window_params = [{transform_indices = #map}, {transform_indices = #map}, {transform_indices = #map}, {transform_indices = #map1}, {transform_indices = #map1}, {transform_indices = #map1}, {transform_indices = #map1}, {transform_indices = #map2}, {transform_indices = #map2}, {transform_indices = #map2}]} {
    %mul3A = arith.constant 2 : i32
    %mul3A_0 = arith.muli %arg1, %mul3A : i32
    %add3A = arith.addi %mul3A_0, %arg0 : i32
    %mul3A_1 = arith.constant 8224 : i32
    %mul3A_2 = arith.muli %add3A, %mul3A_1 : i32
    %mul3A_3 = arith.constant 32 : i32
    %mul3A_4 = arith.muli %add3A, %mul3A_3 : i32
    "tpu.region"() ({
      %run_scoped3A_241 = tpu.sem_alloc : memref<!tpu.dma_semaphore, #tpu.memory_space<semaphore_mem>>
      %dma_start3A_242 = tpu.memref_slice %arg2[%mul3A_2] : memref<263168xi32, #tpu.memory_space<hbm>> -> memref<8224xi32, #tpu.memory_space<hbm>>
      %dma_start3A_243 = tpu.memref_slice %arg2[%mul3A_2] : memref<263168xi32, #tpu.memory_space<hbm>> -> memref<8224xi32, #tpu.memory_space<hbm>>
      tpu.enqueue_dma source(%dma_start3A_243 : memref<8224xi32, #tpu.memory_space<hbm>>) target(%arg12 : memref<8224xi32, #tpu.memory_space<vmem>>) target_semaphore(%run_scoped3A_241 : memref<!tpu.dma_semaphore, #tpu.memory_space<semaphore_mem>>)
      %dma_wait3A_244 = tpu.memref_slice %arg2[%mul3A_2] : memref<263168xi32, #tpu.memory_space<hbm>> -> memref<8224xi32, #tpu.memory_space<hbm>>
      %dma_wait3A_245 = tpu.memref_slice %arg2[%mul3A_2] : memref<263168xi32, #tpu.memory_space<hbm>> -> memref<8224xi32, #tpu.memory_space<hbm>>
      tpu.wait_dma2 semaphore(%run_scoped3A_241 : memref<!tpu.dma_semaphore, #tpu.memory_space<semaphore_mem>>) src(%dma_wait3A_245 : memref<8224xi32, #tpu.memory_space<hbm>>) dst(%arg12 : memref<8224xi32, #tpu.memory_space<vmem>>)
      tpu.yield
    }) : () -> ()
    "tpu.region"() ({
      %run_scoped3A_241 = tpu.sem_alloc : memref<!tpu.dma_semaphore, #tpu.memory_space<semaphore_mem>>
      %dma_start3A_242 = tpu.memref_slice %arg3[%mul3A_4] : memref<1024xi32, #tpu.memory_space<hbm>> -> memref<32xi32, #tpu.memory_space<hbm>>
      %dma_start3A_243 = tpu.memref_slice %arg3[%mul3A_4] : memref<1024xi32, #tpu.memory_space<hbm>> -> memref<32xi32, #tpu.memory_space<hbm>>
      tpu.enqueue_dma source(%dma_start3A_243 : memref<32xi32, #tpu.memory_space<hbm>>) target(%arg15 : memref<32xi32, #tpu.memory_space<vmem>>) target_semaphore(%run_scoped3A_241 : memref<!tpu.dma_semaphore, #tpu.memory_space<semaphore_mem>>)
      %dma_wait3A_244 = tpu.memref_slice %arg3[%mul3A_4] : memref<1024xi32, #tpu.memory_space<hbm>> -> memref<32xi32, #tpu.memory_space<hbm>>
      %dma_wait3A_245 = tpu.memref_slice %arg3[%mul3A_4] : memref<1024xi32, #tpu.memory_space<hbm>> -> memref<32xi32, #tpu.memory_space<hbm>>
      tpu.wait_dma2 semaphore(%run_scoped3A_241 : memref<!tpu.dma_semaphore, #tpu.memory_space<semaphore_mem>>) src(%dma_wait3A_245 : memref<32xi32, #tpu.memory_space<hbm>>) dst(%arg15 : memref<32xi32, #tpu.memory_space<vmem>>)
      tpu.yield
    }) : () -> ()
    "tpu.region"() ({
      %run_scoped3A_241 = tpu.sem_alloc : memref<!tpu.dma_semaphore, #tpu.memory_space<semaphore_mem>>
      %dma_start3A_242 = tpu.memref_slice %arg4[%mul3A_4] : memref<1024xi32, #tpu.memory_space<hbm>> -> memref<32xi32, #tpu.memory_space<hbm>>
      %dma_start3A_243 = tpu.memref_slice %arg4[%mul3A_4] : memref<1024xi32, #tpu.memory_space<hbm>> -> memref<32xi32, #tpu.memory_space<hbm>>
      tpu.enqueue_dma source(%dma_start3A_243 : memref<32xi32, #tpu.memory_space<hbm>>) target(%arg16 : memref<32xi32, #tpu.memory_space<vmem>>) target_semaphore(%run_scoped3A_241 : memref<!tpu.dma_semaphore, #tpu.memory_space<semaphore_mem>>)
      %dma_wait3A_244 = tpu.memref_slice %arg4[%mul3A_4] : memref<1024xi32, #tpu.memory_space<hbm>> -> memref<32xi32, #tpu.memory_space<hbm>>
      %dma_wait3A_245 = tpu.memref_slice %arg4[%mul3A_4] : memref<1024xi32, #tpu.memory_space<hbm>> -> memref<32xi32, #tpu.memory_space<hbm>>
      tpu.wait_dma2 semaphore(%run_scoped3A_241 : memref<!tpu.dma_semaphore, #tpu.memory_space<semaphore_mem>>) src(%dma_wait3A_245 : memref<32xi32, #tpu.memory_space<hbm>>) dst(%arg16 : memref<32xi32, #tpu.memory_space<vmem>>)
      tpu.yield
    }) : () -> ()
    %dma_start3A = arith.constant 0 : i32
    %dma_start3A_5 = arith.constant 0 : i32
    %dma_start3A_6 = arith.constant 0 : i32
    %dma_start3A_7 = tpu.memref_slice %arg13[%dma_start3A, %dma_start3A_5, %dma_start3A_6] : memref<3x256x128xf32, #tpu.memory_space<vmem>> -> memref<1x256x128xf32, #tpu.memory_space<vmem>>
    %dma_start3A_8 = tpu.memref_squeeze %dma_start3A_7 : memref<1x256x128xf32, #tpu.memory_space<vmem>> -> memref<256x128xf32, #tpu.memory_space<vmem>>
    %dma_start3A_9 = arith.constant 0 : i32
    %dma_start3A_10 = tpu.memref_slice %arg12[%dma_start3A_9] : memref<8224xi32, #tpu.memory_space<vmem>> -> memref<256xi32, #tpu.memory_space<vmem>>
    %dma_start3A_11 = arith.constant 0 : i32
    %dma_start3A_12 = arith.constant 0 : i32
    %dma_start3A_13 = tpu.memref_slice %arg5[%dma_start3A_11, %dma_start3A_12] : memref<1000000x128xf32, #tpu.memory_space<hbm>> -> memref<1000000x128xf32, #tpu.memory_space<hbm>>
    tpu.enqueue_indirect_dma source(%dma_start3A_13 : memref<1000000x128xf32, #tpu.memory_space<hbm>>) target(%dma_start3A_8 : memref<256x128xf32, #tpu.memory_space<vmem>>) offsets(%dma_start3A_10 : memref<256xi32, #tpu.memory_space<vmem>>) semaphore(%arg19 : memref<!tpu.dma_semaphore, #tpu.memory_space<semaphore_mem>>)
    %dma_start3A_14 = arith.constant 0 : i32
    %dma_start3A_15 = arith.constant 0 : i32
    %dma_start3A_16 = tpu.memref_slice %arg5[%dma_start3A_14, %dma_start3A_15] : memref<1000000x128xf32, #tpu.memory_space<hbm>> -> memref<1000000x128xf32, #tpu.memory_space<hbm>>
    tpu.enqueue_indirect_dma source(%dma_start3A_16 : memref<1000000x128xf32, #tpu.memory_space<hbm>>) target(%arg17 : memref<32x128xf32, #tpu.memory_space<vmem>>) offsets(%arg15 : memref<32xi32, #tpu.memory_space<vmem>>) semaphore(%arg18 : memref<!tpu.dma_semaphore, #tpu.memory_space<semaphore_mem>>)
    %dma_wait3A = arith.constant 0 : i32
    %dma_wait3A_17 = arith.constant 0 : i32
    %dma_wait3A_18 = tpu.memref_slice %arg5[%dma_wait3A, %dma_wait3A_17] : memref<1000000x128xf32, #tpu.memory_space<hbm>> -> memref<1000000x128xf32, #tpu.memory_space<hbm>>
    tpu.wait_indirect_dma semaphore(%arg18 : memref<!tpu.dma_semaphore, #tpu.memory_space<semaphore_mem>>) src(%dma_wait3A_18 : memref<1000000x128xf32, #tpu.memory_space<hbm>>) dst(%arg17 : memref<32x128xf32, #tpu.memory_space<vmem>>)
    %run_scoped3A = arith.constant 0 : i32
    "tpu.region"() ({
      %run_scoped3A_241 = tpu.sem_alloc : memref<!tpu.dma_semaphore, #tpu.memory_space<semaphore_mem>>
      %dma_start3A_242 = arith.constant 0 : i32
      %dma_start3A_243 = tpu.memref_slice %arg9[%mul3A_4, %run_scoped3A, %dma_start3A_242] : memref<1024x1x128xf32, #tpu.memory_space<hbm>> -> memref<32x1x128xf32, #tpu.memory_space<hbm>>
      %dma_start3A_244 = tpu.memref_squeeze %dma_start3A_243 : memref<32x1x128xf32, #tpu.memory_space<hbm>> -> memref<32x128xf32, #tpu.memory_space<hbm>>
      %dma_start3A_245 = arith.constant 0 : i32
      %dma_start3A_246 = tpu.memref_slice %arg9[%mul3A_4, %run_scoped3A, %dma_start3A_245] : memref<1024x1x128xf32, #tpu.memory_space<hbm>> -> memref<32x1x128xf32, #tpu.memory_space<hbm>>
      %dma_start3A_247 = tpu.memref_squeeze %dma_start3A_246 : memref<32x1x128xf32, #tpu.memory_space<hbm>> -> memref<32x128xf32, #tpu.memory_space<hbm>>
      tpu.enqueue_dma source(%arg17 : memref<32x128xf32, #tpu.memory_space<vmem>>) target(%dma_start3A_247 : memref<32x128xf32, #tpu.memory_space<hbm>>) target_semaphore(%run_scoped3A_241 : memref<!tpu.dma_semaphore, #tpu.memory_space<semaphore_mem>>)
      %dma_wait3A_248 = arith.constant 0 : i32
      %dma_wait3A_249 = tpu.memref_slice %arg9[%mul3A_4, %run_scoped3A, %dma_wait3A_248] : memref<1024x1x128xf32, #tpu.memory_space<hbm>> -> memref<32x1x128xf32, #tpu.memory_space<hbm>>
      %dma_wait3A_250 = tpu.memref_squeeze %dma_wait3A_249 : memref<32x1x128xf32, #tpu.memory_space<hbm>> -> memref<32x128xf32, #tpu.memory_space<hbm>>
      %dma_wait3A_251 = arith.constant 0 : i32
      %dma_wait3A_252 = tpu.memref_slice %arg9[%mul3A_4, %run_scoped3A, %dma_wait3A_251] : memref<1024x1x128xf32, #tpu.memory_space<hbm>> -> memref<32x1x128xf32, #tpu.memory_space<hbm>>
      %dma_wait3A_253 = tpu.memref_squeeze %dma_wait3A_252 : memref<32x1x128xf32, #tpu.memory_space<hbm>> -> memref<32x128xf32, #tpu.memory_space<hbm>>
      tpu.wait_dma2 semaphore(%run_scoped3A_241 : memref<!tpu.dma_semaphore, #tpu.memory_space<semaphore_mem>>) src(%arg17 : memref<32x128xf32, #tpu.memory_space<vmem>>) dst(%dma_wait3A_253 : memref<32x128xf32, #tpu.memory_space<hbm>>)
      tpu.yield
    }) : () -> ()
    %dma_start3A_19 = arith.constant 0 : i32
    %dma_start3A_20 = arith.constant 0 : i32
    %dma_start3A_21 = tpu.memref_slice %arg6[%dma_start3A_19, %dma_start3A_20] : memref<1000x128xf32, #tpu.memory_space<hbm>> -> memref<1000x128xf32, #tpu.memory_space<hbm>>
    tpu.enqueue_indirect_dma source(%dma_start3A_21 : memref<1000x128xf32, #tpu.memory_space<hbm>>) target(%arg17 : memref<32x128xf32, #tpu.memory_space<vmem>>) offsets(%arg16 : memref<32xi32, #tpu.memory_space<vmem>>) semaphore(%arg18 : memref<!tpu.dma_semaphore, #tpu.memory_space<semaphore_mem>>)
    %dma_wait3A_22 = arith.constant 0 : i32
    %dma_wait3A_23 = arith.constant 0 : i32
    %dma_wait3A_24 = tpu.memref_slice %arg6[%dma_wait3A_22, %dma_wait3A_23] : memref<1000x128xf32, #tpu.memory_space<hbm>> -> memref<1000x128xf32, #tpu.memory_space<hbm>>
    tpu.wait_indirect_dma semaphore(%arg18 : memref<!tpu.dma_semaphore, #tpu.memory_space<semaphore_mem>>) src(%dma_wait3A_24 : memref<1000x128xf32, #tpu.memory_space<hbm>>) dst(%arg17 : memref<32x128xf32, #tpu.memory_space<vmem>>)
    %run_scoped3A_25 = arith.constant 0 : i32
    "tpu.region"() ({
      %run_scoped3A_241 = tpu.sem_alloc : memref<!tpu.dma_semaphore, #tpu.memory_space<semaphore_mem>>
      %dma_start3A_242 = arith.constant 0 : i32
      %dma_start3A_243 = tpu.memref_slice %arg10[%mul3A_4, %run_scoped3A_25, %dma_start3A_242] : memref<1024x1x128xf32, #tpu.memory_space<hbm>> -> memref<32x1x128xf32, #tpu.memory_space<hbm>>
      %dma_start3A_244 = tpu.memref_squeeze %dma_start3A_243 : memref<32x1x128xf32, #tpu.memory_space<hbm>> -> memref<32x128xf32, #tpu.memory_space<hbm>>
      %dma_start3A_245 = arith.constant 0 : i32
      %dma_start3A_246 = tpu.memref_slice %arg10[%mul3A_4, %run_scoped3A_25, %dma_start3A_245] : memref<1024x1x128xf32, #tpu.memory_space<hbm>> -> memref<32x1x128xf32, #tpu.memory_space<hbm>>
      %dma_start3A_247 = tpu.memref_squeeze %dma_start3A_246 : memref<32x1x128xf32, #tpu.memory_space<hbm>> -> memref<32x128xf32, #tpu.memory_space<hbm>>
      tpu.enqueue_dma source(%arg17 : memref<32x128xf32, #tpu.memory_space<vmem>>) target(%dma_start3A_247 : memref<32x128xf32, #tpu.memory_space<hbm>>) target_semaphore(%run_scoped3A_241 : memref<!tpu.dma_semaphore, #tpu.memory_space<semaphore_mem>>)
      %dma_wait3A_248 = arith.constant 0 : i32
      %dma_wait3A_249 = tpu.memref_slice %arg10[%mul3A_4, %run_scoped3A_25, %dma_wait3A_248] : memref<1024x1x128xf32, #tpu.memory_space<hbm>> -> memref<32x1x128xf32, #tpu.memory_space<hbm>>
      %dma_wait3A_250 = tpu.memref_squeeze %dma_wait3A_249 : memref<32x1x128xf32, #tpu.memory_space<hbm>> -> memref<32x128xf32, #tpu.memory_space<hbm>>
      %dma_wait3A_251 = arith.constant 0 : i32
      %dma_wait3A_252 = tpu.memref_slice %arg10[%mul3A_4, %run_scoped3A_25, %dma_wait3A_251] : memref<1024x1x128xf32, #tpu.memory_space<hbm>> -> memref<32x1x128xf32, #tpu.memory_space<hbm>>
      %dma_wait3A_253 = tpu.memref_squeeze %dma_wait3A_252 : memref<32x1x128xf32, #tpu.memory_space<hbm>> -> memref<32x128xf32, #tpu.memory_space<hbm>>
      tpu.wait_dma2 semaphore(%run_scoped3A_241 : memref<!tpu.dma_semaphore, #tpu.memory_space<semaphore_mem>>) src(%arg17 : memref<32x128xf32, #tpu.memory_space<vmem>>) dst(%dma_wait3A_253 : memref<32x128xf32, #tpu.memory_space<hbm>>)
      tpu.yield
    }) : () -> ()
    %dma_start3A_26 = arith.constant 0 : i32
    %dma_start3A_27 = arith.constant 0 : i32
    %dma_start3A_28 = tpu.memref_slice %arg7[%dma_start3A_26, %dma_start3A_27] : memref<1000x128xf32, #tpu.memory_space<hbm>> -> memref<1000x128xf32, #tpu.memory_space<hbm>>
    tpu.enqueue_indirect_dma source(%dma_start3A_28 : memref<1000x128xf32, #tpu.memory_space<hbm>>) target(%arg17 : memref<32x128xf32, #tpu.memory_space<vmem>>) offsets(%arg16 : memref<32xi32, #tpu.memory_space<vmem>>) semaphore(%arg18 : memref<!tpu.dma_semaphore, #tpu.memory_space<semaphore_mem>>)
    %dma_wait3A_29 = arith.constant 0 : i32
    %dma_wait3A_30 = arith.constant 0 : i32
    %dma_wait3A_31 = tpu.memref_slice %arg7[%dma_wait3A_29, %dma_wait3A_30] : memref<1000x128xf32, #tpu.memory_space<hbm>> -> memref<1000x128xf32, #tpu.memory_space<hbm>>
    tpu.wait_indirect_dma semaphore(%arg18 : memref<!tpu.dma_semaphore, #tpu.memory_space<semaphore_mem>>) src(%dma_wait3A_31 : memref<1000x128xf32, #tpu.memory_space<hbm>>) dst(%arg17 : memref<32x128xf32, #tpu.memory_space<vmem>>)
    %run_scoped3A_32 = arith.constant 0 : i32
    "tpu.region"() ({
      %run_scoped3A_241 = tpu.sem_alloc : memref<!tpu.dma_semaphore, #tpu.memory_space<semaphore_mem>>
      %dma_start3A_242 = arith.constant 0 : i32
      %dma_start3A_243 = tpu.memref_slice %arg11[%mul3A_4, %run_scoped3A_32, %dma_start3A_242] : memref<1024x1x128xf32, #tpu.memory_space<hbm>> -> memref<32x1x128xf32, #tpu.memory_space<hbm>>
      %dma_start3A_244 = tpu.memref_squeeze %dma_start3A_243 : memref<32x1x128xf32, #tpu.memory_space<hbm>> -> memref<32x128xf32, #tpu.memory_space<hbm>>
      %dma_start3A_245 = arith.constant 0 : i32
      %dma_start3A_246 = tpu.memref_slice %arg11[%mul3A_4, %run_scoped3A_32, %dma_start3A_245] : memref<1024x1x128xf32, #tpu.memory_space<hbm>> -> memref<32x1x128xf32, #tpu.memory_space<hbm>>
      %dma_start3A_247 = tpu.memref_squeeze %dma_start3A_246 : memref<32x1x128xf32, #tpu.memory_space<hbm>> -> memref<32x128xf32, #tpu.memory_space<hbm>>
      tpu.enqueue_dma source(%arg17 : memref<32x128xf32, #tpu.memory_space<vmem>>) target(%dma_start3A_247 : memref<32x128xf32, #tpu.memory_space<hbm>>) target_semaphore(%run_scoped3A_241 : memref<!tpu.dma_semaphore, #tpu.memory_space<semaphore_mem>>)
      %dma_wait3A_248 = arith.constant 0 : i32
      %dma_wait3A_249 = tpu.memref_slice %arg11[%mul3A_4, %run_scoped3A_32, %dma_wait3A_248] : memref<1024x1x128xf32, #tpu.memory_space<hbm>> -> memref<32x1x128xf32, #tpu.memory_space<hbm>>
      %dma_wait3A_250 = tpu.memref_squeeze %dma_wait3A_249 : memref<32x1x128xf32, #tpu.memory_space<hbm>> -> memref<32x128xf32, #tpu.memory_space<hbm>>
      %dma_wait3A_251 = arith.constant 0 : i32
      %dma_wait3A_252 = tpu.memref_slice %arg11[%mul3A_4, %run_scoped3A_32, %dma_wait3A_251] : memref<1024x1x128xf32, #tpu.memory_space<hbm>> -> memref<32x1x128xf32, #tpu.memory_space<hbm>>
      %dma_wait3A_253 = tpu.memref_squeeze %dma_wait3A_252 : memref<32x1x128xf32, #tpu.memory_space<hbm>> -> memref<32x128xf32, #tpu.memory_space<hbm>>
      tpu.wait_dma2 semaphore(%run_scoped3A_241 : memref<!tpu.dma_semaphore, #tpu.memory_space<semaphore_mem>>) src(%arg17 : memref<32x128xf32, #tpu.memory_space<vmem>>) dst(%dma_wait3A_253 : memref<32x128xf32, #tpu.memory_space<hbm>>)
      tpu.yield
    }) : () -> ()
    %dma_start3A_33 = arith.constant 8192 : i32
    %dma_start3A_34 = tpu.memref_slice %arg12[%dma_start3A_33] : memref<8224xi32, #tpu.memory_space<vmem>> -> memref<32xi32, #tpu.memory_space<vmem>>
    %dma_start3A_35 = arith.constant 0 : i32
    %dma_start3A_36 = arith.constant 0 : i32
    %dma_start3A_37 = tpu.memref_slice %arg5[%dma_start3A_35, %dma_start3A_36] : memref<1000000x128xf32, #tpu.memory_space<hbm>> -> memref<1000000x128xf32, #tpu.memory_space<hbm>>
    tpu.enqueue_indirect_dma source(%dma_start3A_37 : memref<1000000x128xf32, #tpu.memory_space<hbm>>) target(%arg14 : memref<32x128xf32, #tpu.memory_space<vmem>>) offsets(%dma_start3A_34 : memref<32xi32, #tpu.memory_space<vmem>>) semaphore(%arg18 : memref<!tpu.dma_semaphore, #tpu.memory_space<semaphore_mem>>)
    %dma_wait3A_38 = arith.constant 0 : i32
    %dma_wait3A_39 = arith.constant 0 : i32
    %dma_wait3A_40 = arith.constant 0 : i32
    %dma_wait3A_41 = tpu.memref_slice %arg13[%dma_wait3A_38, %dma_wait3A_39, %dma_wait3A_40] : memref<3x256x128xf32, #tpu.memory_space<vmem>> -> memref<1x256x128xf32, #tpu.memory_space<vmem>>
    %dma_wait3A_42 = tpu.memref_squeeze %dma_wait3A_41 : memref<1x256x128xf32, #tpu.memory_space<vmem>> -> memref<256x128xf32, #tpu.memory_space<vmem>>
    %dma_wait3A_43 = arith.constant 0 : i32
    %dma_wait3A_44 = tpu.memref_slice %arg12[%dma_wait3A_43] : memref<8224xi32, #tpu.memory_space<vmem>> -> memref<256xi32, #tpu.memory_space<vmem>>
    %dma_wait3A_45 = arith.constant 0 : i32
    %dma_wait3A_46 = arith.constant 0 : i32
    %dma_wait3A_47 = tpu.memref_slice %arg5[%dma_wait3A_45, %dma_wait3A_46] : memref<1000000x128xf32, #tpu.memory_space<hbm>> -> memref<1000000x128xf32, #tpu.memory_space<hbm>>
    tpu.wait_indirect_dma semaphore(%arg19 : memref<!tpu.dma_semaphore, #tpu.memory_space<semaphore_mem>>) src(%dma_wait3A_47 : memref<1000000x128xf32, #tpu.memory_space<hbm>>) dst(%dma_wait3A_42 : memref<256x128xf32, #tpu.memory_space<vmem>>)
    %dma_start3A_48 = arith.constant 1 : i32
    %dma_start3A_49 = arith.constant 0 : i32
    %dma_start3A_50 = arith.constant 0 : i32
    %dma_start3A_51 = tpu.memref_slice %arg13[%dma_start3A_48, %dma_start3A_49, %dma_start3A_50] : memref<3x256x128xf32, #tpu.memory_space<vmem>> -> memref<1x256x128xf32, #tpu.memory_space<vmem>>
    %dma_start3A_52 = tpu.memref_squeeze %dma_start3A_51 : memref<1x256x128xf32, #tpu.memory_space<vmem>> -> memref<256x128xf32, #tpu.memory_space<vmem>>
    %dma_start3A_53 = arith.constant 256 : i32
    %dma_start3A_54 = tpu.memref_slice %arg12[%dma_start3A_53] : memref<8224xi32, #tpu.memory_space<vmem>> -> memref<256xi32, #tpu.memory_space<vmem>>
    %dma_start3A_55 = arith.constant 0 : i32
    %dma_start3A_56 = arith.constant 0 : i32
    %dma_start3A_57 = tpu.memref_slice %arg5[%dma_start3A_55, %dma_start3A_56] : memref<1000000x128xf32, #tpu.memory_space<hbm>> -> memref<1000000x128xf32, #tpu.memory_space<hbm>>
    tpu.enqueue_indirect_dma source(%dma_start3A_57 : memref<1000000x128xf32, #tpu.memory_space<hbm>>) target(%dma_start3A_52 : memref<256x128xf32, #tpu.memory_space<vmem>>) offsets(%dma_start3A_54 : memref<256xi32, #tpu.memory_space<vmem>>) semaphore(%arg19 : memref<!tpu.dma_semaphore, #tpu.memory_space<semaphore_mem>>)
    %add3A_58 = arith.constant 0 : i32
    %add3A_59 = arith.addi %mul3A_2, %add3A_58 : i32
    %dma_start3A_60 = arith.constant 0 : i32
    %dma_start3A_61 = arith.constant 0 : i32
    %dma_start3A_62 = arith.constant 0 : i32
    %dma_start3A_63 = tpu.memref_slice %arg13[%dma_start3A_60, %dma_start3A_61, %dma_start3A_62] : memref<3x256x128xf32, #tpu.memory_space<vmem>> -> memref<1x256x128xf32, #tpu.memory_space<vmem>>
    %dma_start3A_64 = tpu.memref_squeeze %dma_start3A_63 : memref<1x256x128xf32, #tpu.memory_space<vmem>> -> memref<256x128xf32, #tpu.memory_space<vmem>>
    %dma_start3A_65 = arith.constant 0 : i32
    %dma_start3A_66 = tpu.memref_slice %arg8[%add3A_59, %dma_start3A_65] : memref<263168x128xf32, #tpu.memory_space<hbm>> -> memref<256x128xf32, #tpu.memory_space<hbm>>
    %dma_start3A_67 = arith.constant 0 : i32
    %dma_start3A_68 = tpu.memref_slice %arg8[%add3A_59, %dma_start3A_67] : memref<263168x128xf32, #tpu.memory_space<hbm>> -> memref<256x128xf32, #tpu.memory_space<hbm>>
    %dma_start3A_69 = arith.constant 0 : i32
    %dma_start3A_70 = arith.constant 0 : i32
    %dma_start3A_71 = tpu.memref_slice %arg13[%dma_start3A_60, %dma_start3A_69, %dma_start3A_70] : memref<3x256x128xf32, #tpu.memory_space<vmem>> -> memref<1x256x128xf32, #tpu.memory_space<vmem>>
    %dma_start3A_72 = tpu.memref_squeeze %dma_start3A_71 : memref<1x256x128xf32, #tpu.memory_space<vmem>> -> memref<256x128xf32, #tpu.memory_space<vmem>>
    tpu.enqueue_dma source(%dma_start3A_72 : memref<256x128xf32, #tpu.memory_space<vmem>>) target(%dma_start3A_68 : memref<256x128xf32, #tpu.memory_space<hbm>>) target_semaphore(%arg20 : memref<!tpu.dma_semaphore, #tpu.memory_space<semaphore_mem>>)
    %dma_wait3A_73 = arith.constant 1 : i32
    %dma_wait3A_74 = arith.constant 0 : i32
    %dma_wait3A_75 = arith.constant 0 : i32
    %dma_wait3A_76 = tpu.memref_slice %arg13[%dma_wait3A_73, %dma_wait3A_74, %dma_wait3A_75] : memref<3x256x128xf32, #tpu.memory_space<vmem>> -> memref<1x256x128xf32, #tpu.memory_space<vmem>>
    %dma_wait3A_77 = tpu.memref_squeeze %dma_wait3A_76 : memref<1x256x128xf32, #tpu.memory_space<vmem>> -> memref<256x128xf32, #tpu.memory_space<vmem>>
    %dma_wait3A_78 = arith.constant 0 : i32
    %dma_wait3A_79 = tpu.memref_slice %arg12[%dma_wait3A_78] : memref<8224xi32, #tpu.memory_space<vmem>> -> memref<256xi32, #tpu.memory_space<vmem>>
    %dma_wait3A_80 = arith.constant 0 : i32
    %dma_wait3A_81 = arith.constant 0 : i32
    %dma_wait3A_82 = tpu.memref_slice %arg5[%dma_wait3A_80, %dma_wait3A_81] : memref<1000000x128xf32, #tpu.memory_space<hbm>> -> memref<1000000x128xf32, #tpu.memory_space<hbm>>
    tpu.wait_indirect_dma semaphore(%arg19 : memref<!tpu.dma_semaphore, #tpu.memory_space<semaphore_mem>>) src(%dma_wait3A_82 : memref<1000000x128xf32, #tpu.memory_space<hbm>>) dst(%dma_wait3A_77 : memref<256x128xf32, #tpu.memory_space<vmem>>)
    %dma_start3A_83 = arith.constant 2 : i32
    %dma_start3A_84 = arith.constant 0 : i32
    %dma_start3A_85 = arith.constant 0 : i32
    %dma_start3A_86 = tpu.memref_slice %arg13[%dma_start3A_83, %dma_start3A_84, %dma_start3A_85] : memref<3x256x128xf32, #tpu.memory_space<vmem>> -> memref<1x256x128xf32, #tpu.memory_space<vmem>>
    %dma_start3A_87 = tpu.memref_squeeze %dma_start3A_86 : memref<1x256x128xf32, #tpu.memory_space<vmem>> -> memref<256x128xf32, #tpu.memory_space<vmem>>
    %dma_start3A_88 = arith.constant 512 : i32
    %dma_start3A_89 = tpu.memref_slice %arg12[%dma_start3A_88] : memref<8224xi32, #tpu.memory_space<vmem>> -> memref<256xi32, #tpu.memory_space<vmem>>
    %dma_start3A_90 = arith.constant 0 : i32
    %dma_start3A_91 = arith.constant 0 : i32
    %dma_start3A_92 = tpu.memref_slice %arg5[%dma_start3A_90, %dma_start3A_91] : memref<1000000x128xf32, #tpu.memory_space<hbm>> -> memref<1000000x128xf32, #tpu.memory_space<hbm>>
    tpu.enqueue_indirect_dma source(%dma_start3A_92 : memref<1000000x128xf32, #tpu.memory_space<hbm>>) target(%dma_start3A_87 : memref<256x128xf32, #tpu.memory_space<vmem>>) offsets(%dma_start3A_89 : memref<256xi32, #tpu.memory_space<vmem>>) semaphore(%arg19 : memref<!tpu.dma_semaphore, #tpu.memory_space<semaphore_mem>>)
    %add3A_93 = arith.constant 256 : i32
    %add3A_94 = arith.addi %mul3A_2, %add3A_93 : i32
    %dma_start3A_95 = arith.constant 1 : i32
    %dma_start3A_96 = arith.constant 0 : i32
    %dma_start3A_97 = arith.constant 0 : i32
    %dma_start3A_98 = tpu.memref_slice %arg13[%dma_start3A_95, %dma_start3A_96, %dma_start3A_97] : memref<3x256x128xf32, #tpu.memory_space<vmem>> -> memref<1x256x128xf32, #tpu.memory_space<vmem>>
    %dma_start3A_99 = tpu.memref_squeeze %dma_start3A_98 : memref<1x256x128xf32, #tpu.memory_space<vmem>> -> memref<256x128xf32, #tpu.memory_space<vmem>>
    %dma_start3A_100 = arith.constant 0 : i32
    %dma_start3A_101 = tpu.memref_slice %arg8[%add3A_94, %dma_start3A_100] : memref<263168x128xf32, #tpu.memory_space<hbm>> -> memref<256x128xf32, #tpu.memory_space<hbm>>
    %dma_start3A_102 = arith.constant 0 : i32
    %dma_start3A_103 = tpu.memref_slice %arg8[%add3A_94, %dma_start3A_102] : memref<263168x128xf32, #tpu.memory_space<hbm>> -> memref<256x128xf32, #tpu.memory_space<hbm>>
    %dma_start3A_104 = arith.constant 0 : i32
    %dma_start3A_105 = arith.constant 0 : i32
    %dma_start3A_106 = tpu.memref_slice %arg13[%dma_start3A_95, %dma_start3A_104, %dma_start3A_105] : memref<3x256x128xf32, #tpu.memory_space<vmem>> -> memref<1x256x128xf32, #tpu.memory_space<vmem>>
    %dma_start3A_107 = tpu.memref_squeeze %dma_start3A_106 : memref<1x256x128xf32, #tpu.memory_space<vmem>> -> memref<256x128xf32, #tpu.memory_space<vmem>>
    tpu.enqueue_dma source(%dma_start3A_107 : memref<256x128xf32, #tpu.memory_space<vmem>>) target(%dma_start3A_103 : memref<256x128xf32, #tpu.memory_space<hbm>>) target_semaphore(%arg21 : memref<!tpu.dma_semaphore, #tpu.memory_space<semaphore_mem>>)
    %dma_wait3A_108 = arith.constant 2 : i32
    %dma_wait3A_109 = arith.constant 0 : i32
    %dma_wait3A_110 = arith.constant 0 : i32
    %dma_wait3A_111 = tpu.memref_slice %arg13[%dma_wait3A_108, %dma_wait3A_109, %dma_wait3A_110] : memref<3x256x128xf32, #tpu.memory_space<vmem>> -> memref<1x256x128xf32, #tpu.memory_space<vmem>>
    %dma_wait3A_112 = tpu.memref_squeeze %dma_wait3A_111 : memref<1x256x128xf32, #tpu.memory_space<vmem>> -> memref<256x128xf32, #tpu.memory_space<vmem>>
    %dma_wait3A_113 = arith.constant 0 : i32
    %dma_wait3A_114 = tpu.memref_slice %arg12[%dma_wait3A_113] : memref<8224xi32, #tpu.memory_space<vmem>> -> memref<256xi32, #tpu.memory_space<vmem>>
    %dma_wait3A_115 = arith.constant 0 : i32
    %dma_wait3A_116 = arith.constant 0 : i32
    %dma_wait3A_117 = tpu.memref_slice %arg5[%dma_wait3A_115, %dma_wait3A_116] : memref<1000000x128xf32, #tpu.memory_space<hbm>> -> memref<1000000x128xf32, #tpu.memory_space<hbm>>
    tpu.wait_indirect_dma semaphore(%arg19 : memref<!tpu.dma_semaphore, #tpu.memory_space<semaphore_mem>>) src(%dma_wait3A_117 : memref<1000000x128xf32, #tpu.memory_space<hbm>>) dst(%dma_wait3A_112 : memref<256x128xf32, #tpu.memory_space<vmem>>)
    %dma_wait3A_118 = arith.constant 0 : i32
    %dma_wait3A_119 = tpu.memref_slice %arg8[%mul3A_2, %dma_wait3A_118] : memref<263168x128xf32, #tpu.memory_space<hbm>> -> memref<256x128xf32, #tpu.memory_space<hbm>>
    %dma_wait3A_120 = arith.constant 0 : i32
    %dma_wait3A_121 = arith.constant 0 : i32
    %dma_wait3A_122 = tpu.memref_slice %arg5[%dma_wait3A_120, %dma_wait3A_121] : memref<1000000x128xf32, #tpu.memory_space<hbm>> -> memref<256x128xf32, #tpu.memory_space<hbm>>
    tpu.wait_dma2 semaphore(%arg20 : memref<!tpu.dma_semaphore, #tpu.memory_space<semaphore_mem>>) src(%dma_wait3A_122 : memref<256x128xf32, #tpu.memory_space<hbm>>) dst(%dma_wait3A_119 : memref<256x128xf32, #tpu.memory_space<hbm>>)
    %dma_start3A_123 = arith.constant 0 : i32
    %dma_start3A_124 = arith.constant 0 : i32
    %dma_start3A_125 = arith.constant 0 : i32
    %dma_start3A_126 = tpu.memref_slice %arg13[%dma_start3A_123, %dma_start3A_124, %dma_start3A_125] : memref<3x256x128xf32, #tpu.memory_space<vmem>> -> memref<1x256x128xf32, #tpu.memory_space<vmem>>
    %dma_start3A_127 = tpu.memref_squeeze %dma_start3A_126 : memref<1x256x128xf32, #tpu.memory_space<vmem>> -> memref<256x128xf32, #tpu.memory_space<vmem>>
    %dma_start3A_128 = arith.constant 768 : i32
    %dma_start3A_129 = tpu.memref_slice %arg12[%dma_start3A_128] : memref<8224xi32, #tpu.memory_space<vmem>> -> memref<256xi32, #tpu.memory_space<vmem>>
    %dma_start3A_130 = arith.constant 0 : i32
    %dma_start3A_131 = arith.constant 0 : i32
    %dma_start3A_132 = tpu.memref_slice %arg5[%dma_start3A_130, %dma_start3A_131] : memref<1000000x128xf32, #tpu.memory_space<hbm>> -> memref<1000000x128xf32, #tpu.memory_space<hbm>>
    tpu.enqueue_indirect_dma source(%dma_start3A_132 : memref<1000000x128xf32, #tpu.memory_space<hbm>>) target(%dma_start3A_127 : memref<256x128xf32, #tpu.memory_space<vmem>>) offsets(%dma_start3A_129 : memref<256xi32, #tpu.memory_space<vmem>>) semaphore(%arg19 : memref<!tpu.dma_semaphore, #tpu.memory_space<semaphore_mem>>)
    %add3A_133 = arith.constant 512 : i32
    %add3A_134 = arith.addi %mul3A_2, %add3A_133 : i32
    %dma_start3A_135 = arith.constant 2 : i32
    %dma_start3A_136 = arith.constant 0 : i32
    %dma_start3A_137 = arith.constant 0 : i32
    %dma_start3A_138 = tpu.memref_slice %arg13[%dma_start3A_135, %dma_start3A_136, %dma_start3A_137] : memref<3x256x128xf32, #tpu.memory_space<vmem>> -> memref<1x256x128xf32, #tpu.memory_space<vmem>>
    %dma_start3A_139 = tpu.memref_squeeze %dma_start3A_138 : memref<1x256x128xf32, #tpu.memory_space<vmem>> -> memref<256x128xf32, #tpu.memory_space<vmem>>
    %dma_start3A_140 = arith.constant 0 : i32
    %dma_start3A_141 = tpu.memref_slice %arg8[%add3A_134, %dma_start3A_140] : memref<263168x128xf32, #tpu.memory_space<hbm>> -> memref<256x128xf32, #tpu.memory_space<hbm>>
    %dma_start3A_142 = arith.constant 0 : i32
    %dma_start3A_143 = tpu.memref_slice %arg8[%add3A_134, %dma_start3A_142] : memref<263168x128xf32, #tpu.memory_space<hbm>> -> memref<256x128xf32, #tpu.memory_space<hbm>>
    %dma_start3A_144 = arith.constant 0 : i32
    %dma_start3A_145 = arith.constant 0 : i32
    %dma_start3A_146 = tpu.memref_slice %arg13[%dma_start3A_135, %dma_start3A_144, %dma_start3A_145] : memref<3x256x128xf32, #tpu.memory_space<vmem>> -> memref<1x256x128xf32, #tpu.memory_space<vmem>>
    %dma_start3A_147 = tpu.memref_squeeze %dma_start3A_146 : memref<1x256x128xf32, #tpu.memory_space<vmem>> -> memref<256x128xf32, #tpu.memory_space<vmem>>
    tpu.enqueue_dma source(%dma_start3A_147 : memref<256x128xf32, #tpu.memory_space<vmem>>) target(%dma_start3A_143 : memref<256x128xf32, #tpu.memory_space<hbm>>) target_semaphore(%arg22 : memref<!tpu.dma_semaphore, #tpu.memory_space<semaphore_mem>>)
    %scan3A = arith.constant 0 : i32
    %scan3A_148 = arith.constant 0 : i32
    %scan3A_149 = arith.constant 9 : i32
    %scan3A_150 = arith.addi %scan3A_148, %scan3A_149 : i32
    %scan3A_151 = arith.constant 1 : i32
    %scan3A_152 = scf.for %scan3A_241 = %scan3A_148 to %scan3A_150 step %scan3A_151 iter_args(%scan3A_242 = %scan3A) -> (i32)  : i32 {
      %mul3A_243 = arith.constant 3 : i32
      %mul3A_244 = arith.muli %mul3A_243, %scan3A_241 : i32
      %add3A_245 = arith.constant 3 : i32
      %add3A_246 = arith.addi %add3A_245, %mul3A_244 : i32
      %add3A_247 = arith.constant 0 : i32
      %add3A_248 = arith.addi %add3A_246, %add3A_247 : i32
      %dma_wait3A_249 = arith.constant 0 : i32
      %dma_wait3A_250 = arith.constant 0 : i32
      %dma_wait3A_251 = arith.constant 0 : i32
      %dma_wait3A_252 = tpu.memref_slice %arg13[%dma_wait3A_249, %dma_wait3A_250, %dma_wait3A_251] : memref<3x256x128xf32, #tpu.memory_space<vmem>> -> memref<1x256x128xf32, #tpu.memory_space<vmem>>
      %dma_wait3A_253 = tpu.memref_squeeze %dma_wait3A_252 : memref<1x256x128xf32, #tpu.memory_space<vmem>> -> memref<256x128xf32, #tpu.memory_space<vmem>>
      %dma_wait3A_254 = arith.constant 0 : i32
      %dma_wait3A_255 = tpu.memref_slice %arg12[%dma_wait3A_254] : memref<8224xi32, #tpu.memory_space<vmem>> -> memref<256xi32, #tpu.memory_space<vmem>>
      %dma_wait3A_256 = arith.constant 0 : i32
      %dma_wait3A_257 = arith.constant 0 : i32
      %dma_wait3A_258 = tpu.memref_slice %arg5[%dma_wait3A_256, %dma_wait3A_257] : memref<1000000x128xf32, #tpu.memory_space<hbm>> -> memref<1000000x128xf32, #tpu.memory_space<hbm>>
      tpu.wait_indirect_dma semaphore(%arg19 : memref<!tpu.dma_semaphore, #tpu.memory_space<semaphore_mem>>) src(%dma_wait3A_258 : memref<1000000x128xf32, #tpu.memory_space<hbm>>) dst(%dma_wait3A_253 : memref<256x128xf32, #tpu.memory_space<vmem>>)
      %dma_wait3A_259 = arith.constant 0 : i32
      %dma_wait3A_260 = tpu.memref_slice %arg8[%mul3A_2, %dma_wait3A_259] : memref<263168x128xf32, #tpu.memory_space<hbm>> -> memref<256x128xf32, #tpu.memory_space<hbm>>
      %dma_wait3A_261 = arith.constant 0 : i32
      %dma_wait3A_262 = arith.constant 0 : i32
      %dma_wait3A_263 = tpu.memref_slice %arg5[%dma_wait3A_261, %dma_wait3A_262] : memref<1000000x128xf32, #tpu.memory_space<hbm>> -> memref<256x128xf32, #tpu.memory_space<hbm>>
      tpu.wait_dma2 semaphore(%arg21 : memref<!tpu.dma_semaphore, #tpu.memory_space<semaphore_mem>>) src(%dma_wait3A_263 : memref<256x128xf32, #tpu.memory_space<hbm>>) dst(%dma_wait3A_260 : memref<256x128xf32, #tpu.memory_space<hbm>>)
      %add3A_264 = arith.constant 1 : i32
      %add3A_265 = arith.addi %add3A_248, %add3A_264 : i32
      %mul3A_266 = arith.constant 256 : i32
      %mul3A_267 = arith.muli %add3A_265, %mul3A_266 : i32
      %dma_start3A_268 = arith.constant 1 : i32
      %dma_start3A_269 = arith.constant 0 : i32
      %dma_start3A_270 = arith.constant 0 : i32
      %dma_start3A_271 = tpu.memref_slice %arg13[%dma_start3A_268, %dma_start3A_269, %dma_start3A_270] : memref<3x256x128xf32, #tpu.memory_space<vmem>> -> memref<1x256x128xf32, #tpu.memory_space<vmem>>
      %dma_start3A_272 = tpu.memref_squeeze %dma_start3A_271 : memref<1x256x128xf32, #tpu.memory_space<vmem>> -> memref<256x128xf32, #tpu.memory_space<vmem>>
      %dma_start3A_273 = tpu.memref_slice %arg12[%mul3A_267] : memref<8224xi32, #tpu.memory_space<vmem>> -> memref<256xi32, #tpu.memory_space<vmem>>
      %dma_start3A_274 = arith.constant 0 : i32
      %dma_start3A_275 = arith.constant 0 : i32
      %dma_start3A_276 = tpu.memref_slice %arg5[%dma_start3A_274, %dma_start3A_275] : memref<1000000x128xf32, #tpu.memory_space<hbm>> -> memref<1000000x128xf32, #tpu.memory_space<hbm>>
      tpu.enqueue_indirect_dma source(%dma_start3A_276 : memref<1000000x128xf32, #tpu.memory_space<hbm>>) target(%dma_start3A_272 : memref<256x128xf32, #tpu.memory_space<vmem>>) offsets(%dma_start3A_273 : memref<256xi32, #tpu.memory_space<vmem>>) semaphore(%arg19 : memref<!tpu.dma_semaphore, #tpu.memory_space<semaphore_mem>>)
      %mul3A_277 = arith.constant 256 : i32
      %mul3A_278 = arith.muli %add3A_248, %mul3A_277 : i32
      %add3A_279 = arith.addi %mul3A_2, %mul3A_278 : i32
      %dma_start3A_280 = arith.constant 0 : i32
      %dma_start3A_281 = arith.constant 0 : i32
      %dma_start3A_282 = arith.constant 0 : i32
      %dma_start3A_283 = tpu.memref_slice %arg13[%dma_start3A_280, %dma_start3A_281, %dma_start3A_282] : memref<3x256x128xf32, #tpu.memory_space<vmem>> -> memref<1x256x128xf32, #tpu.memory_space<vmem>>
      %dma_start3A_284 = tpu.memref_squeeze %dma_start3A_283 : memref<1x256x128xf32, #tpu.memory_space<vmem>> -> memref<256x128xf32, #tpu.memory_space<vmem>>
      %dma_start3A_285 = arith.constant 0 : i32
      %dma_start3A_286 = tpu.memref_slice %arg8[%add3A_279, %dma_start3A_285] : memref<263168x128xf32, #tpu.memory_space<hbm>> -> memref<256x128xf32, #tpu.memory_space<hbm>>
      %dma_start3A_287 = arith.constant 0 : i32
      %dma_start3A_288 = tpu.memref_slice %arg8[%add3A_279, %dma_start3A_287] : memref<263168x128xf32, #tpu.memory_space<hbm>> -> memref<256x128xf32, #tpu.memory_space<hbm>>
      %dma_start3A_289 = arith.constant 0 : i32
      %dma_start3A_290 = arith.constant 0 : i32
      %dma_start3A_291 = tpu.memref_slice %arg13[%dma_start3A_280, %dma_start3A_289, %dma_start3A_290] : memref<3x256x128xf32, #tpu.memory_space<vmem>> -> memref<1x256x128xf32, #tpu.memory_space<vmem>>
      %dma_start3A_292 = tpu.memref_squeeze %dma_start3A_291 : memref<1x256x128xf32, #tpu.memory_space<vmem>> -> memref<256x128xf32, #tpu.memory_space<vmem>>
      tpu.enqueue_dma source(%dma_start3A_292 : memref<256x128xf32, #tpu.memory_space<vmem>>) target(%dma_start3A_288 : memref<256x128xf32, #tpu.memory_space<hbm>>) target_semaphore(%arg20 : memref<!tpu.dma_semaphore, #tpu.memory_space<semaphore_mem>>)
      %mul3A_293 = arith.constant 3 : i32
      %mul3A_294 = arith.muli %mul3A_293, %scan3A_241 : i32
      %add3A_295 = arith.constant 3 : i32
      %add3A_296 = arith.addi %add3A_295, %mul3A_294 : i32
      %add3A_297 = arith.constant 1 : i32
      %add3A_298 = arith.addi %add3A_296, %add3A_297 : i32
      %dma_wait3A_299 = arith.constant 1 : i32
      %dma_wait3A_300 = arith.constant 0 : i32
      %dma_wait3A_301 = arith.constant 0 : i32
      %dma_wait3A_302 = tpu.memref_slice %arg13[%dma_wait3A_299, %dma_wait3A_300, %dma_wait3A_301] : memref<3x256x128xf32, #tpu.memory_space<vmem>> -> memref<1x256x128xf32, #tpu.memory_space<vmem>>
      %dma_wait3A_303 = tpu.memref_squeeze %dma_wait3A_302 : memref<1x256x128xf32, #tpu.memory_space<vmem>> -> memref<256x128xf32, #tpu.memory_space<vmem>>
      %dma_wait3A_304 = arith.constant 0 : i32
      %dma_wait3A_305 = tpu.memref_slice %arg12[%dma_wait3A_304] : memref<8224xi32, #tpu.memory_space<vmem>> -> memref<256xi32, #tpu.memory_space<vmem>>
      %dma_wait3A_306 = arith.constant 0 : i32
      %dma_wait3A_307 = arith.constant 0 : i32
      %dma_wait3A_308 = tpu.memref_slice %arg5[%dma_wait3A_306, %dma_wait3A_307] : memref<1000000x128xf32, #tpu.memory_space<hbm>> -> memref<1000000x128xf32, #tpu.memory_space<hbm>>
      tpu.wait_indirect_dma semaphore(%arg19 : memref<!tpu.dma_semaphore, #tpu.memory_space<semaphore_mem>>) src(%dma_wait3A_308 : memref<1000000x128xf32, #tpu.memory_space<hbm>>) dst(%dma_wait3A_303 : memref<256x128xf32, #tpu.memory_space<vmem>>)
      %dma_wait3A_309 = arith.constant 0 : i32
      %dma_wait3A_310 = tpu.memref_slice %arg8[%mul3A_2, %dma_wait3A_309] : memref<263168x128xf32, #tpu.memory_space<hbm>> -> memref<256x128xf32, #tpu.memory_space<hbm>>
      %dma_wait3A_311 = arith.constant 0 : i32
      %dma_wait3A_312 = arith.constant 0 : i32
      %dma_wait3A_313 = tpu.memref_slice %arg5[%dma_wait3A_311, %dma_wait3A_312] : memref<1000000x128xf32, #tpu.memory_space<hbm>> -> memref<256x128xf32, #tpu.memory_space<hbm>>
      tpu.wait_dma2 semaphore(%arg22 : memref<!tpu.dma_semaphore, #tpu.memory_space<semaphore_mem>>) src(%dma_wait3A_313 : memref<256x128xf32, #tpu.memory_space<hbm>>) dst(%dma_wait3A_310 : memref<256x128xf32, #tpu.memory_space<hbm>>)
      %add3A_314 = arith.constant 1 : i32
      %add3A_315 = arith.addi %add3A_298, %add3A_314 : i32
      %mul3A_316 = arith.constant 256 : i32
      %mul3A_317 = arith.muli %add3A_315, %mul3A_316 : i32
      %dma_start3A_318 = arith.constant 2 : i32
      %dma_start3A_319 = arith.constant 0 : i32
      %dma_start3A_320 = arith.constant 0 : i32
      %dma_start3A_321 = tpu.memref_slice %arg13[%dma_start3A_318, %dma_start3A_319, %dma_start3A_320] : memref<3x256x128xf32, #tpu.memory_space<vmem>> -> memref<1x256x128xf32, #tpu.memory_space<vmem>>
      %dma_start3A_322 = tpu.memref_squeeze %dma_start3A_321 : memref<1x256x128xf32, #tpu.memory_space<vmem>> -> memref<256x128xf32, #tpu.memory_space<vmem>>
      %dma_start3A_323 = tpu.memref_slice %arg12[%mul3A_317] : memref<8224xi32, #tpu.memory_space<vmem>> -> memref<256xi32, #tpu.memory_space<vmem>>
      %dma_start3A_324 = arith.constant 0 : i32
      %dma_start3A_325 = arith.constant 0 : i32
      %dma_start3A_326 = tpu.memref_slice %arg5[%dma_start3A_324, %dma_start3A_325] : memref<1000000x128xf32, #tpu.memory_space<hbm>> -> memref<1000000x128xf32, #tpu.memory_space<hbm>>
      tpu.enqueue_indirect_dma source(%dma_start3A_326 : memref<1000000x128xf32, #tpu.memory_space<hbm>>) target(%dma_start3A_322 : memref<256x128xf32, #tpu.memory_space<vmem>>) offsets(%dma_start3A_323 : memref<256xi32, #tpu.memory_space<vmem>>) semaphore(%arg19 : memref<!tpu.dma_semaphore, #tpu.memory_space<semaphore_mem>>)
      %mul3A_327 = arith.constant 256 : i32
      %mul3A_328 = arith.muli %add3A_298, %mul3A_327 : i32
      %add3A_329 = arith.addi %mul3A_2, %mul3A_328 : i32
      %dma_start3A_330 = arith.constant 1 : i32
      %dma_start3A_331 = arith.constant 0 : i32
      %dma_start3A_332 = arith.constant 0 : i32
      %dma_start3A_333 = tpu.memref_slice %arg13[%dma_start3A_330, %dma_start3A_331, %dma_start3A_332] : memref<3x256x128xf32, #tpu.memory_space<vmem>> -> memref<1x256x128xf32, #tpu.memory_space<vmem>>
      %dma_start3A_334 = tpu.memref_squeeze %dma_start3A_333 : memref<1x256x128xf32, #tpu.memory_space<vmem>> -> memref<256x128xf32, #tpu.memory_space<vmem>>
      %dma_start3A_335 = arith.constant 0 : i32
      %dma_start3A_336 = tpu.memref_slice %arg8[%add3A_329, %dma_start3A_335] : memref<263168x128xf32, #tpu.memory_space<hbm>> -> memref<256x128xf32, #tpu.memory_space<hbm>>
      %dma_start3A_337 = arith.constant 0 : i32
      %dma_start3A_338 = tpu.memref_slice %arg8[%add3A_329, %dma_start3A_337] : memref<263168x128xf32, #tpu.memory_space<hbm>> -> memref<256x128xf32, #tpu.memory_space<hbm>>
      %dma_start3A_339 = arith.constant 0 : i32
      %dma_start3A_340 = arith.constant 0 : i32
      %dma_start3A_341 = tpu.memref_slice %arg13[%dma_start3A_330, %dma_start3A_339, %dma_start3A_340] : memref<3x256x128xf32, #tpu.memory_space<vmem>> -> memref<1x256x128xf32, #tpu.memory_space<vmem>>
      %dma_start3A_342 = tpu.memref_squeeze %dma_start3A_341 : memref<1x256x128xf32, #tpu.memory_space<vmem>> -> memref<256x128xf32, #tpu.memory_space<vmem>>
      tpu.enqueue_dma source(%dma_start3A_342 : memref<256x128xf32, #tpu.memory_space<vmem>>) target(%dma_start3A_338 : memref<256x128xf32, #tpu.memory_space<hbm>>) target_semaphore(%arg21 : memref<!tpu.dma_semaphore, #tpu.memory_space<semaphore_mem>>)
      %mul3A_343 = arith.constant 3 : i32
      %mul3A_344 = arith.muli %mul3A_343, %scan3A_241 : i32
      %add3A_345 = arith.constant 3 : i32
      %add3A_346 = arith.addi %add3A_345, %mul3A_344 : i32
      %add3A_347 = arith.constant 2 : i32
      %add3A_348 = arith.addi %add3A_346, %add3A_347 : i32
      %dma_wait3A_349 = arith.constant 2 : i32
      %dma_wait3A_350 = arith.constant 0 : i32
      %dma_wait3A_351 = arith.constant 0 : i32
      %dma_wait3A_352 = tpu.memref_slice %arg13[%dma_wait3A_349, %dma_wait3A_350, %dma_wait3A_351] : memref<3x256x128xf32, #tpu.memory_space<vmem>> -> memref<1x256x128xf32, #tpu.memory_space<vmem>>
      %dma_wait3A_353 = tpu.memref_squeeze %dma_wait3A_352 : memref<1x256x128xf32, #tpu.memory_space<vmem>> -> memref<256x128xf32, #tpu.memory_space<vmem>>
      %dma_wait3A_354 = arith.constant 0 : i32
      %dma_wait3A_355 = tpu.memref_slice %arg12[%dma_wait3A_354] : memref<8224xi32, #tpu.memory_space<vmem>> -> memref<256xi32, #tpu.memory_space<vmem>>
      %dma_wait3A_356 = arith.constant 0 : i32
      %dma_wait3A_357 = arith.constant 0 : i32
      %dma_wait3A_358 = tpu.memref_slice %arg5[%dma_wait3A_356, %dma_wait3A_357] : memref<1000000x128xf32, #tpu.memory_space<hbm>> -> memref<1000000x128xf32, #tpu.memory_space<hbm>>
      tpu.wait_indirect_dma semaphore(%arg19 : memref<!tpu.dma_semaphore, #tpu.memory_space<semaphore_mem>>) src(%dma_wait3A_358 : memref<1000000x128xf32, #tpu.memory_space<hbm>>) dst(%dma_wait3A_353 : memref<256x128xf32, #tpu.memory_space<vmem>>)
      %dma_wait3A_359 = arith.constant 0 : i32
      %dma_wait3A_360 = tpu.memref_slice %arg8[%mul3A_2, %dma_wait3A_359] : memref<263168x128xf32, #tpu.memory_space<hbm>> -> memref<256x128xf32, #tpu.memory_space<hbm>>
      %dma_wait3A_361 = arith.constant 0 : i32
      %dma_wait3A_362 = arith.constant 0 : i32
      %dma_wait3A_363 = tpu.memref_slice %arg5[%dma_wait3A_361, %dma_wait3A_362] : memref<1000000x128xf32, #tpu.memory_space<hbm>> -> memref<256x128xf32, #tpu.memory_space<hbm>>
      tpu.wait_dma2 semaphore(%arg20 : memref<!tpu.dma_semaphore, #tpu.memory_space<semaphore_mem>>) src(%dma_wait3A_363 : memref<256x128xf32, #tpu.memory_space<hbm>>) dst(%dma_wait3A_360 : memref<256x128xf32, #tpu.memory_space<hbm>>)
      %add3A_364 = arith.constant 1 : i32
      %add3A_365 = arith.addi %add3A_348, %add3A_364 : i32
      %mul3A_366 = arith.constant 256 : i32
      %mul3A_367 = arith.muli %add3A_365, %mul3A_366 : i32
      %dma_start3A_368 = arith.constant 0 : i32
      %dma_start3A_369 = arith.constant 0 : i32
      %dma_start3A_370 = arith.constant 0 : i32
      %dma_start3A_371 = tpu.memref_slice %arg13[%dma_start3A_368, %dma_start3A_369, %dma_start3A_370] : memref<3x256x128xf32, #tpu.memory_space<vmem>> -> memref<1x256x128xf32, #tpu.memory_space<vmem>>
      %dma_start3A_372 = tpu.memref_squeeze %dma_start3A_371 : memref<1x256x128xf32, #tpu.memory_space<vmem>> -> memref<256x128xf32, #tpu.memory_space<vmem>>
      %dma_start3A_373 = tpu.memref_slice %arg12[%mul3A_367] : memref<8224xi32, #tpu.memory_space<vmem>> -> memref<256xi32, #tpu.memory_space<vmem>>
      %dma_start3A_374 = arith.constant 0 : i32
      %dma_start3A_375 = arith.constant 0 : i32
      %dma_start3A_376 = tpu.memref_slice %arg5[%dma_start3A_374, %dma_start3A_375] : memref<1000000x128xf32, #tpu.memory_space<hbm>> -> memref<1000000x128xf32, #tpu.memory_space<hbm>>
      tpu.enqueue_indirect_dma source(%dma_start3A_376 : memref<1000000x128xf32, #tpu.memory_space<hbm>>) target(%dma_start3A_372 : memref<256x128xf32, #tpu.memory_space<vmem>>) offsets(%dma_start3A_373 : memref<256xi32, #tpu.memory_space<vmem>>) semaphore(%arg19 : memref<!tpu.dma_semaphore, #tpu.memory_space<semaphore_mem>>)
      %mul3A_377 = arith.constant 256 : i32
      %mul3A_378 = arith.muli %add3A_348, %mul3A_377 : i32
      %add3A_379 = arith.addi %mul3A_2, %mul3A_378 : i32
      %dma_start3A_380 = arith.constant 2 : i32
      %dma_start3A_381 = arith.constant 0 : i32
      %dma_start3A_382 = arith.constant 0 : i32
      %dma_start3A_383 = tpu.memref_slice %arg13[%dma_start3A_380, %dma_start3A_381, %dma_start3A_382] : memref<3x256x128xf32, #tpu.memory_space<vmem>> -> memref<1x256x128xf32, #tpu.memory_space<vmem>>
      %dma_start3A_384 = tpu.memref_squeeze %dma_start3A_383 : memref<1x256x128xf32, #tpu.memory_space<vmem>> -> memref<256x128xf32, #tpu.memory_space<vmem>>
      %dma_start3A_385 = arith.constant 0 : i32
      %dma_start3A_386 = tpu.memref_slice %arg8[%add3A_379, %dma_start3A_385] : memref<263168x128xf32, #tpu.memory_space<hbm>> -> memref<256x128xf32, #tpu.memory_space<hbm>>
      %dma_start3A_387 = arith.constant 0 : i32
      %dma_start3A_388 = tpu.memref_slice %arg8[%add3A_379, %dma_start3A_387] : memref<263168x128xf32, #tpu.memory_space<hbm>> -> memref<256x128xf32, #tpu.memory_space<hbm>>
      %dma_start3A_389 = arith.constant 0 : i32
      %dma_start3A_390 = arith.constant 0 : i32
      %dma_start3A_391 = tpu.memref_slice %arg13[%dma_start3A_380, %dma_start3A_389, %dma_start3A_390] : memref<3x256x128xf32, #tpu.memory_space<vmem>> -> memref<1x256x128xf32, #tpu.memory_space<vmem>>
      %dma_start3A_392 = tpu.memref_squeeze %dma_start3A_391 : memref<1x256x128xf32, #tpu.memory_space<vmem>> -> memref<256x128xf32, #tpu.memory_space<vmem>>
      tpu.enqueue_dma source(%dma_start3A_392 : memref<256x128xf32, #tpu.memory_space<vmem>>) target(%dma_start3A_388 : memref<256x128xf32, #tpu.memory_space<hbm>>) target_semaphore(%arg22 : memref<!tpu.dma_semaphore, #tpu.memory_space<semaphore_mem>>)
      %scan3A_393 = arith.constant 0 : i32
      scf.yield %scan3A_393 : i32
    }
    %scan3A_153 = arith.constant 9 : i32
    %dma_wait3A_154 = arith.constant 0 : i32
    %dma_wait3A_155 = arith.constant 0 : i32
    %dma_wait3A_156 = arith.constant 0 : i32
    %dma_wait3A_157 = tpu.memref_slice %arg13[%dma_wait3A_154, %dma_wait3A_155, %dma_wait3A_156] : memref<3x256x128xf32, #tpu.memory_space<vmem>> -> memref<1x256x128xf32, #tpu.memory_space<vmem>>
    %dma_wait3A_158 = tpu.memref_squeeze %dma_wait3A_157 : memref<1x256x128xf32, #tpu.memory_space<vmem>> -> memref<256x128xf32, #tpu.memory_space<vmem>>
    %dma_wait3A_159 = arith.constant 0 : i32
    %dma_wait3A_160 = tpu.memref_slice %arg12[%dma_wait3A_159] : memref<8224xi32, #tpu.memory_space<vmem>> -> memref<256xi32, #tpu.memory_space<vmem>>
    %dma_wait3A_161 = arith.constant 0 : i32
    %dma_wait3A_162 = arith.constant 0 : i32
    %dma_wait3A_163 = tpu.memref_slice %arg5[%dma_wait3A_161, %dma_wait3A_162] : memref<1000000x128xf32, #tpu.memory_space<hbm>> -> memref<1000000x128xf32, #tpu.memory_space<hbm>>
    tpu.wait_indirect_dma semaphore(%arg19 : memref<!tpu.dma_semaphore, #tpu.memory_space<semaphore_mem>>) src(%dma_wait3A_163 : memref<1000000x128xf32, #tpu.memory_space<hbm>>) dst(%dma_wait3A_158 : memref<256x128xf32, #tpu.memory_space<vmem>>)
    %dma_wait3A_164 = arith.constant 0 : i32
    %dma_wait3A_165 = tpu.memref_slice %arg8[%mul3A_2, %dma_wait3A_164] : memref<263168x128xf32, #tpu.memory_space<hbm>> -> memref<256x128xf32, #tpu.memory_space<hbm>>
    %dma_wait3A_166 = arith.constant 0 : i32
    %dma_wait3A_167 = arith.constant 0 : i32
    %dma_wait3A_168 = tpu.memref_slice %arg5[%dma_wait3A_166, %dma_wait3A_167] : memref<1000000x128xf32, #tpu.memory_space<hbm>> -> memref<256x128xf32, #tpu.memory_space<hbm>>
    tpu.wait_dma2 semaphore(%arg21 : memref<!tpu.dma_semaphore, #tpu.memory_space<semaphore_mem>>) src(%dma_wait3A_168 : memref<256x128xf32, #tpu.memory_space<hbm>>) dst(%dma_wait3A_165 : memref<256x128xf32, #tpu.memory_space<hbm>>)
    %dma_start3A_169 = arith.constant 1 : i32
    %dma_start3A_170 = arith.constant 0 : i32
    %dma_start3A_171 = arith.constant 0 : i32
    %dma_start3A_172 = tpu.memref_slice %arg13[%dma_start3A_169, %dma_start3A_170, %dma_start3A_171] : memref<3x256x128xf32, #tpu.memory_space<vmem>> -> memref<1x256x128xf32, #tpu.memory_space<vmem>>
    %dma_start3A_173 = tpu.memref_squeeze %dma_start3A_172 : memref<1x256x128xf32, #tpu.memory_space<vmem>> -> memref<256x128xf32, #tpu.memory_space<vmem>>
    %dma_start3A_174 = arith.constant 7936 : i32
    %dma_start3A_175 = tpu.memref_slice %arg12[%dma_start3A_174] : memref<8224xi32, #tpu.memory_space<vmem>> -> memref<256xi32, #tpu.memory_space<vmem>>
    %dma_start3A_176 = arith.constant 0 : i32
    %dma_start3A_177 = arith.constant 0 : i32
    %dma_start3A_178 = tpu.memref_slice %arg5[%dma_start3A_176, %dma_start3A_177] : memref<1000000x128xf32, #tpu.memory_space<hbm>> -> memref<1000000x128xf32, #tpu.memory_space<hbm>>
    tpu.enqueue_indirect_dma source(%dma_start3A_178 : memref<1000000x128xf32, #tpu.memory_space<hbm>>) target(%dma_start3A_173 : memref<256x128xf32, #tpu.memory_space<vmem>>) offsets(%dma_start3A_175 : memref<256xi32, #tpu.memory_space<vmem>>) semaphore(%arg19 : memref<!tpu.dma_semaphore, #tpu.memory_space<semaphore_mem>>)
    %add3A_179 = arith.constant 7680 : i32
    %add3A_180 = arith.addi %mul3A_2, %add3A_179 : i32
    %dma_start3A_181 = arith.constant 0 : i32
    %dma_start3A_182 = arith.constant 0 : i32
    %dma_start3A_183 = arith.constant 0 : i32
    %dma_start3A_184 = tpu.memref_slice %arg13[%dma_start3A_181, %dma_start3A_182, %dma_start3A_183] : memref<3x256x128xf32, #tpu.memory_space<vmem>> -> memref<1x256x128xf32, #tpu.memory_space<vmem>>
    %dma_start3A_185 = tpu.memref_squeeze %dma_start3A_184 : memref<1x256x128xf32, #tpu.memory_space<vmem>> -> memref<256x128xf32, #tpu.memory_space<vmem>>
    %dma_start3A_186 = arith.constant 0 : i32
    %dma_start3A_187 = tpu.memref_slice %arg8[%add3A_180, %dma_start3A_186] : memref<263168x128xf32, #tpu.memory_space<hbm>> -> memref<256x128xf32, #tpu.memory_space<hbm>>
    %dma_start3A_188 = arith.constant 0 : i32
    %dma_start3A_189 = tpu.memref_slice %arg8[%add3A_180, %dma_start3A_188] : memref<263168x128xf32, #tpu.memory_space<hbm>> -> memref<256x128xf32, #tpu.memory_space<hbm>>
    %dma_start3A_190 = arith.constant 0 : i32
    %dma_start3A_191 = arith.constant 0 : i32
    %dma_start3A_192 = tpu.memref_slice %arg13[%dma_start3A_181, %dma_start3A_190, %dma_start3A_191] : memref<3x256x128xf32, #tpu.memory_space<vmem>> -> memref<1x256x128xf32, #tpu.memory_space<vmem>>
    %dma_start3A_193 = tpu.memref_squeeze %dma_start3A_192 : memref<1x256x128xf32, #tpu.memory_space<vmem>> -> memref<256x128xf32, #tpu.memory_space<vmem>>
    tpu.enqueue_dma source(%dma_start3A_193 : memref<256x128xf32, #tpu.memory_space<vmem>>) target(%dma_start3A_189 : memref<256x128xf32, #tpu.memory_space<hbm>>) target_semaphore(%arg20 : memref<!tpu.dma_semaphore, #tpu.memory_space<semaphore_mem>>)
    %dma_wait3A_194 = arith.constant 1 : i32
    %dma_wait3A_195 = arith.constant 0 : i32
    %dma_wait3A_196 = arith.constant 0 : i32
    %dma_wait3A_197 = tpu.memref_slice %arg13[%dma_wait3A_194, %dma_wait3A_195, %dma_wait3A_196] : memref<3x256x128xf32, #tpu.memory_space<vmem>> -> memref<1x256x128xf32, #tpu.memory_space<vmem>>
    %dma_wait3A_198 = tpu.memref_squeeze %dma_wait3A_197 : memref<1x256x128xf32, #tpu.memory_space<vmem>> -> memref<256x128xf32, #tpu.memory_space<vmem>>
    %dma_wait3A_199 = arith.constant 0 : i32
    %dma_wait3A_200 = tpu.memref_slice %arg12[%dma_wait3A_199] : memref<8224xi32, #tpu.memory_space<vmem>> -> memref<256xi32, #tpu.memory_space<vmem>>
    %dma_wait3A_201 = arith.constant 0 : i32
    %dma_wait3A_202 = arith.constant 0 : i32
    %dma_wait3A_203 = tpu.memref_slice %arg5[%dma_wait3A_201, %dma_wait3A_202] : memref<1000000x128xf32, #tpu.memory_space<hbm>> -> memref<1000000x128xf32, #tpu.memory_space<hbm>>
    tpu.wait_indirect_dma semaphore(%arg19 : memref<!tpu.dma_semaphore, #tpu.memory_space<semaphore_mem>>) src(%dma_wait3A_203 : memref<1000000x128xf32, #tpu.memory_space<hbm>>) dst(%dma_wait3A_198 : memref<256x128xf32, #tpu.memory_space<vmem>>)
    %dma_wait3A_204 = arith.constant 0 : i32
    %dma_wait3A_205 = tpu.memref_slice %arg8[%mul3A_2, %dma_wait3A_204] : memref<263168x128xf32, #tpu.memory_space<hbm>> -> memref<256x128xf32, #tpu.memory_space<hbm>>
    %dma_wait3A_206 = arith.constant 0 : i32
    %dma_wait3A_207 = arith.constant 0 : i32
    %dma_wait3A_208 = tpu.memref_slice %arg5[%dma_wait3A_206, %dma_wait3A_207] : memref<1000000x128xf32, #tpu.memory_space<hbm>> -> memref<256x128xf32, #tpu.memory_space<hbm>>
    tpu.wait_dma2 semaphore(%arg22 : memref<!tpu.dma_semaphore, #tpu.memory_space<semaphore_mem>>) src(%dma_wait3A_208 : memref<256x128xf32, #tpu.memory_space<hbm>>) dst(%dma_wait3A_205 : memref<256x128xf32, #tpu.memory_space<hbm>>)
    %add3A_209 = arith.constant 7936 : i32
    %add3A_210 = arith.addi %mul3A_2, %add3A_209 : i32
    %dma_start3A_211 = arith.constant 1 : i32
    %dma_start3A_212 = arith.constant 0 : i32
    %dma_start3A_213 = arith.constant 0 : i32
    %dma_start3A_214 = tpu.memref_slice %arg13[%dma_start3A_211, %dma_start3A_212, %dma_start3A_213] : memref<3x256x128xf32, #tpu.memory_space<vmem>> -> memref<1x256x128xf32, #tpu.memory_space<vmem>>
    %dma_start3A_215 = tpu.memref_squeeze %dma_start3A_214 : memref<1x256x128xf32, #tpu.memory_space<vmem>> -> memref<256x128xf32, #tpu.memory_space<vmem>>
    %dma_start3A_216 = arith.constant 0 : i32
    %dma_start3A_217 = tpu.memref_slice %arg8[%add3A_210, %dma_start3A_216] : memref<263168x128xf32, #tpu.memory_space<hbm>> -> memref<256x128xf32, #tpu.memory_space<hbm>>
    %dma_start3A_218 = arith.constant 0 : i32
    %dma_start3A_219 = tpu.memref_slice %arg8[%add3A_210, %dma_start3A_218] : memref<263168x128xf32, #tpu.memory_space<hbm>> -> memref<256x128xf32, #tpu.memory_space<hbm>>
    %dma_start3A_220 = arith.constant 0 : i32
    %dma_start3A_221 = arith.constant 0 : i32
    %dma_start3A_222 = tpu.memref_slice %arg13[%dma_start3A_211, %dma_start3A_220, %dma_start3A_221] : memref<3x256x128xf32, #tpu.memory_space<vmem>> -> memref<1x256x128xf32, #tpu.memory_space<vmem>>
    %dma_start3A_223 = tpu.memref_squeeze %dma_start3A_222 : memref<1x256x128xf32, #tpu.memory_space<vmem>> -> memref<256x128xf32, #tpu.memory_space<vmem>>
    tpu.enqueue_dma source(%dma_start3A_223 : memref<256x128xf32, #tpu.memory_space<vmem>>) target(%dma_start3A_219 : memref<256x128xf32, #tpu.memory_space<hbm>>) target_semaphore(%arg21 : memref<!tpu.dma_semaphore, #tpu.memory_space<semaphore_mem>>)
    %dma_wait3A_224 = arith.constant 0 : i32
    %dma_wait3A_225 = tpu.memref_slice %arg8[%mul3A_2, %dma_wait3A_224] : memref<263168x128xf32, #tpu.memory_space<hbm>> -> memref<256x128xf32, #tpu.memory_space<hbm>>
    %dma_wait3A_226 = arith.constant 0 : i32
    %dma_wait3A_227 = arith.constant 0 : i32
    %dma_wait3A_228 = tpu.memref_slice %arg5[%dma_wait3A_226, %dma_wait3A_227] : memref<1000000x128xf32, #tpu.memory_space<hbm>> -> memref<256x128xf32, #tpu.memory_space<hbm>>
    tpu.wait_dma2 semaphore(%arg20 : memref<!tpu.dma_semaphore, #tpu.memory_space<semaphore_mem>>) src(%dma_wait3A_228 : memref<256x128xf32, #tpu.memory_space<hbm>>) dst(%dma_wait3A_225 : memref<256x128xf32, #tpu.memory_space<hbm>>)
    %dma_wait3A_229 = arith.constant 0 : i32
    %dma_wait3A_230 = tpu.memref_slice %arg8[%mul3A_2, %dma_wait3A_229] : memref<263168x128xf32, #tpu.memory_space<hbm>> -> memref<256x128xf32, #tpu.memory_space<hbm>>
    %dma_wait3A_231 = arith.constant 0 : i32
    %dma_wait3A_232 = arith.constant 0 : i32
    %dma_wait3A_233 = tpu.memref_slice %arg5[%dma_wait3A_231, %dma_wait3A_232] : memref<1000000x128xf32, #tpu.memory_space<hbm>> -> memref<256x128xf32, #tpu.memory_space<hbm>>
    tpu.wait_dma2 semaphore(%arg21 : memref<!tpu.dma_semaphore, #tpu.memory_space<semaphore_mem>>) src(%dma_wait3A_233 : memref<256x128xf32, #tpu.memory_space<hbm>>) dst(%dma_wait3A_230 : memref<256x128xf32, #tpu.memory_space<hbm>>)
    %dma_wait3A_234 = arith.constant 8192 : i32
    %dma_wait3A_235 = tpu.memref_slice %arg12[%dma_wait3A_234] : memref<8224xi32, #tpu.memory_space<vmem>> -> memref<32xi32, #tpu.memory_space<vmem>>
    %dma_wait3A_236 = arith.constant 0 : i32
    %dma_wait3A_237 = arith.constant 0 : i32
    %dma_wait3A_238 = tpu.memref_slice %arg5[%dma_wait3A_236, %dma_wait3A_237] : memref<1000000x128xf32, #tpu.memory_space<hbm>> -> memref<1000000x128xf32, #tpu.memory_space<hbm>>
    tpu.wait_indirect_dma semaphore(%arg18 : memref<!tpu.dma_semaphore, #tpu.memory_space<semaphore_mem>>) src(%dma_wait3A_238 : memref<1000000x128xf32, #tpu.memory_space<hbm>>) dst(%arg14 : memref<32x128xf32, #tpu.memory_space<vmem>>)
    %add3A_239 = arith.constant 8192 : i32
    %add3A_240 = arith.addi %mul3A_2, %add3A_239 : i32
    "tpu.region"() ({
      %run_scoped3A_241 = tpu.sem_alloc : memref<!tpu.dma_semaphore, #tpu.memory_space<semaphore_mem>>
      %dma_start3A_242 = arith.constant 0 : i32
      %dma_start3A_243 = tpu.memref_slice %arg8[%add3A_240, %dma_start3A_242] : memref<263168x128xf32, #tpu.memory_space<hbm>> -> memref<32x128xf32, #tpu.memory_space<hbm>>
      %dma_start3A_244 = arith.constant 0 : i32
      %dma_start3A_245 = tpu.memref_slice %arg8[%add3A_240, %dma_start3A_244] : memref<263168x128xf32, #tpu.memory_space<hbm>> -> memref<32x128xf32, #tpu.memory_space<hbm>>
      tpu.enqueue_dma source(%arg14 : memref<32x128xf32, #tpu.memory_space<vmem>>) target(%dma_start3A_245 : memref<32x128xf32, #tpu.memory_space<hbm>>) target_semaphore(%run_scoped3A_241 : memref<!tpu.dma_semaphore, #tpu.memory_space<semaphore_mem>>)
      %dma_wait3A_246 = arith.constant 0 : i32
      %dma_wait3A_247 = tpu.memref_slice %arg8[%add3A_240, %dma_wait3A_246] : memref<263168x128xf32, #tpu.memory_space<hbm>> -> memref<32x128xf32, #tpu.memory_space<hbm>>
      %dma_wait3A_248 = arith.constant 0 : i32
      %dma_wait3A_249 = tpu.memref_slice %arg8[%add3A_240, %dma_wait3A_248] : memref<263168x128xf32, #tpu.memory_space<hbm>> -> memref<32x128xf32, #tpu.memory_space<hbm>>
      tpu.wait_dma2 semaphore(%run_scoped3A_241 : memref<!tpu.dma_semaphore, #tpu.memory_space<semaphore_mem>>) src(%arg14 : memref<32x128xf32, #tpu.memory_space<vmem>>) dst(%dma_wait3A_249 : memref<32x128xf32, #tpu.memory_space<hbm>>)
      tpu.yield
    }) : () -> ()
    return
  }
}

</mosaic_0001>

<sc_bundles>
// kernel: kernel.3.cloned.1.call-start
scs
__scs_entry_jumppad:
0x0: {  	(pc) =	sbr.rel $0x88, $3  }
0x1: {  	(tag) =	ssettag $0x0;
	lr =	simm.s32 $0x1  }
0x2: {  	[smem:$0x3F9C] =	sst lr;
	_ =	strace $0xD0000000  }
0x3: {  	_ = 	snop  }
0x4: {  	_ = 	snop  }
0x5: {  	_ = 	snop  }
0x6: {  	_ = 	snop  }
0x7: {  	_ = 	snop  }
__scs_overlays_trampoline_lowered:
0x8: {  	[smem:$0x3FAB] =	sst s0  }
0x9: {  	[smem:$0x3FAC] =	sst s1  }
0xa: {  	[smem:$0x3FAD] =	sst s2  }
0xb: {  	[smem:$0x3FAE] =	sst s3  }
0xc: {  	[smem:$0x3FAF] =	sst s4  }
0xd: {  	[smem:$0x3FB0] =	sst s5  }
0xe: {  	[smem:$0x3FB1] =	sst s6  }
0xf: {  	[smem:$0x3FB2] =	sst s7  }
0x10: {  	[smem:$0x3FB3] =	sst s8  }
0x11: {  	[smem:$0x3FB4] =	sst s9;
	s0 =	simm.s32 @!p0 $0x0  }
0x12: {  	s1 =	sld [smem:$0x3F9A];
	s0 =	simm.s32 @p0 $0x1  }
0x13: {  	[smem:$0x3FB5] =	sst s0;
	s0 =	simm.s32 @!p1 $0x0  }
0x14: {  	s2 =	sld [smem:$0x3F99];
	s0 =	simm.s32 @p1 $0x1  }
0x15: {  	[smem:$0x3FB6] =	sst s0;
	s0 =	simm.s32 @!p2 $0x0  }
0x16: {  	s3 =	sld [smem:$0x3FDB];
	s0 =	simm.s32 @p2 $0x1  }
0x17: {  	s4 =	simm.s32 $0x1BF5;
	[smem:$0x3FB8] =	sst s0  }
0x18: {  	s0 =	sld [smem:$0x3F9B];
	_ =	swait.ge [sflag:s4], $0x0  }
0x19: {  	s7 =	sld [smem:$0x3F9C]  }
0x1a: {  	s8 =	sadd.s32 $0xFFFFE003, lr  }
0x1b: {  	s9 =	sadd.s32 $0xFFFFFEF7, lr;
	s5 =	simm.s32 $0xFFFFFFFF;
	p2 =	slt.u32 s8, $0xFFFFF086  }
0x1c: {  	p1 =	slt.u32 s9, $0xF7A;
	s5 =	simm.s32 @!p2 $0x0  }
0x1d: {  	s5 =	simm.s32 @p1 $0x1;
	p0 =	seq.s32 s7, s2  }
0x1e: {  	s7 =	smul.u32 @!p0 $0xF7A, s2;
	p2 =	seq.s32 @!p0 s5, $0x0  }
0x1f: {  	s9 =	smul.u32 $0xF7A, s1;
	s8 =	simm.s32 @!p0 $0x1BF5;
	p2 =	por !p2, p0  }
0x20: {  	[sflag:s8] =	ssyncset.s32 @!p0 $0xFFFFF086;
	s6 =	sadd.s32 @!p0 s3, s7;
	s7 =	simm.s32 @!p0 $0x108  }
0x21: {  	s3 =	sadd.s32 s3, s9;
	s6 =	sadd.s32 @!p0 $0x88, s6;
	s7 =	simm.s32 @p2 $0x1082  }
0x22: {  	[simem:s7], [sflag:s8] =	dma.local @!p0 [hbm:s6], $0xF7A  }
0x23: {  	s9 =	sor.u32 $0xD0000000, s2;
	s6 =	simm.s32 $0x108;
	_ =	swait.ge @!p0 [sflag:s8], $0x0  }
0x24: {  	s3 =	sadd.s32 $0x88, s3;
	s6 =	simm.s32 @!p1 $0x1082;
	[sflag:s4] =	ssyncset.s32 $0xFFFFF086  }
0x25: {  	[simem:s6], [sflag:s4] =	dma.local [hbm:s3], $0xF7A  }
0x26: {  	[smem:$0x3F9C] =	sst s1;
	(tag) =	ssettag s2;
	_ =	strace s9  }
0x27: {  	s1 =	sld [smem:$0x3FAC]  }
0x28: {  	s2 =	sld [smem:$0x3FAD]  }
0x29: {  	s4 =	sld [smem:$0x3FAF]  }
0x2a: {  	p0 =	seq.s32 s5, $0x0;
	s5 =	sld [smem:$0x3FB0]  }
0x2b: {  	s6 =	sld [smem:$0x3FB1]  }
0x2c: {  	s7 =	sld [smem:$0x3FB2]  }
0x2d: {  	s3 =	simm.s32 $0x108;
	s8 =	sld [smem:$0x3FB3]  }
0x2e: {  	s3 =	simm.s32 @!p0 $0x1082;
	s9 =	sld [smem:$0x3FB4]  }
0x2f: {  	lr =	sadd.s32 s0, s3;
	s0 =	sld [smem:$0x3FAB]  }
0x30: {  	s3 =	sld [smem:$0x3FAE]  }
0x31: {  	[smem:$0x3FB7] =	sst s10  }
0x32: {  	s10 =	sld [smem:$0x3FB5];
	_ =	sdelay $0x3  }
0x33: {  	p0 =	seq.s32 s10, $0x1;
	s10 =	sld [smem:$0x3FB7];
	_ =	sdelay $0x3  }
0x34: {  	[smem:$0x3FB7] =	sst s10  }
0x35: {  	s10 =	sld [smem:$0x3FB6];
	_ =	sdelay $0x3  }
0x36: {  	p1 =	seq.s32 s10, $0x1;
	s10 =	sld [smem:$0x3FB7];
	_ =	sdelay $0x3  }
0x37: {  	[smem:$0x3FB7] =	sst s10  }
0x38: {  	s10 =	sld [smem:$0x3FB8]  }
0x39: {  	_ = 	snop;
	(pc) =	sbr.ind lr, $3  }
0x3a: {  	_ = 	snop  }
0x3b: {  	_ = 	snop  }
0x3c: {  	p2 =	seq.s32 s10, $0x1;
	s10 =	sld [smem:$0x3FB7]  }
0x3d: {  	_ =	shalt  }
0x3e: {  	_ =	shalt  }
0x3f: {  	_ =	shalt  }
0x40: {  	_ =	shalt  }
0x41: {  	_ =	shalt  }
0x42: {  	_ =	shalt  }
0x43: {  	_ =	shalt  }
0x44: {  	_ =	shalt  }
0x45: {  	_ =	shalt  }
0x46: {  	_ =	shalt  }
0x47: {  	_ =	shalt  }
0x48: {  	_ =	shalt  }
0x49: {  	_ =	shalt  }
0x4a: {  	_ =	shalt  }
0x4b: {  	_ =	shalt  }
0x4c: {  	_ =	shalt  }
0x4d: {  	_ =	shalt  }
0x4e: {  	_ =	shalt  }
0x4f: {  	_ =	shalt  }
0x50: {  	_ =	shalt  }
0x51: {  	_ =	shalt  }
0x52: {  	_ =	shalt  }
0x53: {  	_ =	shalt  }
0x54: {  	_ =	shalt  }
0x55: {  	_ =	shalt  }
0x56: {  	_ =	shalt  }
0x57: {  	_ =	shalt  }
0x58: {  	_ =	shalt  }
0x59: {  	_ =	shalt  }
0x5a: {  	_ =	shalt  }
0x5b: {  	_ =	shalt  }
0x5c: {  	_ =	shalt  }
0x5d: {  	_ =	shalt  }
0x5e: {  	_ =	shalt  }
0x5f: {  	_ =	shalt  }
0x60: {  	_ =	shalt  }
0x61: {  	_ =	shalt  }
0x62: {  	_ =	shalt  }
0x63: {  	_ =	shalt  }
0x64: {  	_ =	shalt  }
0x65: {  	_ =	shalt  }
0x66: {  	_ =	shalt  }
0x67: {  	_ =	shalt  }
0x68: {  	_ =	shalt  }
0x69: {  	_ =	shalt  }
0x6a: {  	_ =	shalt  }
0x6b: {  	_ =	shalt  }
0x6c: {  	_ =	shalt  }
0x6d: {  	_ =	shalt  }
0x6e: {  	_ =	shalt  }
0x6f: {  	_ =	shalt  }
0x70: {  	_ =	shalt  }
0x71: {  	_ =	shalt  }
0x72: {  	_ =	shalt  }
0x73: {  	_ =	shalt  }
0x74: {  	_ =	shalt  }
0x75: {  	_ =	shalt  }
0x76: {  	_ =	shalt  }
0x77: {  	_ =	shalt  }
0x78: {  	_ =	shalt  }
0x79: {  	_ =	shalt  }
0x7a: {  	_ =	shalt  }
0x7b: {  	_ =	shalt  }
0x7c: {  	_ =	shalt  }
0x7d: {  	_ =	shalt  }
0x7e: {  	_ =	shalt  }
0x7f: {  	_ =	shalt  }
0x80: {  	_ =	shalt  }
0x81: {  	_ =	shalt  }
0x82: {  	_ =	shalt  }
0x83: {  	_ =	shalt  }
0x84: {  	_ =	shalt  }
0x85: {  	_ =	shalt  }
0x86: {  	_ =	shalt  }
0x87: {  	_ =	shalt  }
.Lfunc_end0:
.L_simem_size_0:
called_computation_lowered:
.L_overlay_start_0:
0x88: {  	s2 =	sld [smem:$0x3FD9]  }
0x89: {  	s3 =	sld [smem:$0x3FFE];
	_ =	sdelay $0x1  }
0x8a: {  	s1 =	srdreg.scid  }
0x8b: {  	s0 =	sand.u32 $0x1, s1  }
0x8c: {  	s14 =	sshll.u32 s0, $0xA;
	s2 =	sadd.s32 s3, s2  }
0x8d: {  	s2 =	sadd.s32 s2, s14  }
0x8e: {  	[smem:$0x3FC3] =	sst s2  }
0x8f: {  	_ = 	snop  }
0x90: {  	s2 =	sld [smem:$0x3FD0]  }
0x91: {  	s15 =	sld [smem:$0x3FC7]  }
0x92: {  	s4 =	sld [smem:$0x3FC6]  }
0x93: {  	s6 =	simm.s32 $0xA;
	s7 =	simm.s32 $0x10;
	s5 =	sld [smem:$0x3FC5]  }
0x94: {  	[smem:s7], [sflag:s6] =	dma.local [hbm:s2], $0x1  }
0x95: {  	_ =	swait.eq [sflag:s6], $0x1  }
0x96: {  	s16 =	sld [smem:$0x10]  }
0x97: {  	s17 =	sld [smem:$0x11];
	[sflag:s6] =	ssyncset.done $0x0  }
0x98: {  	s8 =	sld [smem:$0x12];
	[sflag:s6] =	ssyncadd.s32 $0xFFFFFFFF  }
0x99: {  	s18 =	sld [smem:$0x13];
	(tm) =	ssettm $0x1  }
0x9a: {  	s9 =	sld [smem:$0x3FFB];
	_ =	sdelay $0x3  }
0x9b: {  	_ =	strace s9  }
0x9c: {  	s9 =	sld [smem:$0x3FFC];
	_ =	sdelay $0x3  }
0x9d: {  	_ =	strace s9  }
0x9e: {  	s9 =	sld [smem:$0x3FFD];
	_ =	sdelay $0x3  }
0x9f: {  	_ =	strace s9  }
0xa0: {  	_ =	strace $0x8FFFFFFF  }
0xa1: {  	s19 =	sld [smem:$0x3FDB];
	_ =	sdelay $0x1  }
0xa2: {  	s10 =	simm.s32 $_scs_section_size  }
0xa3: {  	s11 =	simm.s32 $_size__tile_overlayer_lowered;
	s12 =	simm.s32 $_tile_overlayer_lowered  }
0xa4: {  	s22 =	simm.s32 $0x1BFF;
	s21 =	sshll.u32 s12, $0x1;
	s9 =	sadd.s32 s10, s19  }
0xa5: {  	s13 =	simm.s32 $0x0;
	s20 =	sshll.u32 s11, $0x1;
	s11 =	sadd.s32 s21, s9  }
0xa6: {  	[timem:s13], [sflag:s22] =	dma.local [hbm:s11], s20  }
0xa7: {  	_ =	swait.ge [sflag:s22], s20  }
0xa8: {  	s10 =	ssub.s32 $0x0, s20;
	[sflag:s22] =	ssyncset.done $0x0  }
0xa9: {  	[sflag:s22] =	ssyncadd.s32 s10;
	_ =	sdelay $0x1  }
0xaa: {  	s23 =	simm.s32 $0x1B8B  }
0xab: {  	_ =	swait.ge [sflag:s23], $0x1  }
0xac: {  	[sflag:s23] =	ssyncset.done $0x0  }
0xad: {  	s25 =	simm.s32 $0x1B8E;
	s24 =	sld [smem:$0x3FFE];
	[sflag:s23] =	ssyncadd.s32 $0xFFFFFFFF  }
0xae: {  	s26 =	simm.s32 $execute0_lowered;
	[smem:$0x3FD2] =	sst s25  }
0xaf: {  	s11 =	sshll.u32 s26, $0x1;
	_ =	strace $0x80000046;
	[dreg:$0x1] =	wrdreg $0xFFFFFFFF  }
0xb0: {  	s28 =	simm.s32 $_size_execute0_lowered;
	s9 =	sadd.s32 s9, s11;
	[dreg:$0x0] =	wrdreg $0x0  }
0xb1: {  	s11 =	sshll.u32 s28, $0x1;
	[dreg:$0x2] =	wrdreg s9  }
0xb2: {  	[dreg:$0x3] =	wrdreg s11  }
0xb3: {  	[dreg:$0x4] =	wrdreg $0xC0  }
0xb4: {  	_ =	task [dreg:s13], $0x5FFFF  }
0xb5: {  	[dreg:$0x1] =	wrdreg $0xFFFFFFFF  }
0xb6: {  	[dreg:$0x0] =	wrdreg $0x60  }
0xb7: {  	[dreg:$0x2] =	wrdreg s24  }
0xb8: {  	[dreg:$0x3] =	wrdreg s15  }
0xb9: {  	[dreg:$0x4] =	wrdreg s4  }
0xba: {  	[dreg:$0x5] =	wrdreg s5  }
0xbb: {  	[dreg:$0x6] =	wrdreg s8  }
0xbc: {  	[dreg:$0x7] =	wrdreg s16  }
0xbd: {  	[dreg:$0x8] =	wrdreg s17  }
0xbe: {  	[dreg:$0x9] =	wrdreg s18  }
0xbf: {  	[dreg:$0xa] =	wrdreg $0x9  }
0xc0: {  	_ =	task.clear_ibuf [dreg:s13], $0xBFFFF;
	_ =	strace $0x90000046  }
0xc1: {  	s29 =	simm.s32 $0x9;
	_ =	strace $0x80000048  }
0xc2: {  	_ =	swait.ge [sflag:s29], $0x1  }
0xc3: {  	[sflag:s29] =	ssyncadd.s32 $0xFFFFFFFF  }
0xc4: {  	_ =	strace $0x90000048  }
0xc5: {  	_ =	sfence  }
0xc6: {  	s30 =	sld [smem:$0x0];
	_ =	sdelay $0x2  }
0xc7: {  	s31 =	sshll.u32 s1, $0xD;
	s1 =	sshrl.u32 s1, $0x2  }
0xc8: {  	s3 =	sand.u32 $0x4000, s31;
	s1 =	sadd.s32 s1, s30  }
0xc9: {  	s0 =	sor.u32 s3, s0;
	s1 =	sshll.u32 s1, $0x11  }
0xca: {  	s0 =	sor.u32 s1, s0  }
0xcb: {  	s0 =	sadd.s32 $0x8F2B, s0  }
0xcc: {  	[sflag:s0] =	ssyncadd.remote.s32 $0x1  }
0xcd: {  	_ =	sfence.sel $0xFFFF  }
0xce: {  	[dreg:$0x0] =	wrdreg $0xFFFFFFFF;
	(pc) =	sbr.abs _section_cstart, $3  }
0xcf: {  	[dreg:$0x1] =	wrdreg $0xFFFFFFFF  }
0xd0: {  	_ =	task.clear_ibuf [dreg:s13], $0x2FFFF;
	_ =	strace $0x9FFFFFFF  }
0xd1: {  	(tm) =	ssettm $0x7FFFFFFF  }
tec
execute0_lowered:
.L_overlay_start_1:
0x0: {  	(tag) =	ssettag $0x1  }
0x1: {  	s1 =	rddreg [dreg:$0x0]  }
0x2: {  	s0 =	rddreg [dreg:$0x1]  }
0x3: {  	s2 =	rddreg [dreg:$0x4]  }
0x4: {  	s3 =	rddreg [dreg:$0x5]  }
0x5: {  	s4 =	srdreg.scid;
	s6 =	rddreg [dreg:$0x6]  }
0x6: {  	s13 =	stileid.u32;
	s7 =	rddreg [dreg:$0x7];
	s28 =	simm.s32 $0x1  }
0x7: {  	s30 =	simm.s32 $0x1A080;
	s4 =	sand.u32 $0x1, s4;
	s5 =	sshll.u32 s13, $0x1  }
0x8: {  	s31 =	simm.s32 $0x2;
	s25 =	smul.u32 $0x40400, s13;
	s8 =	sor.u32 s4, s5  }
0x9: {  	s5 =	simm.s32 $0x0;
	s10 =	ssub.s32 $0x2, s4;
	s4 =	smul.u32 $0x20200, s4  }
0xa: {  	s29 =	simm.s32 $0x5;
	s9 =	smul.u32 $0x2020, s8;
	[smem:$0x7FF] =	sst s5  }
0xb: {  	s11 =	sshll.u32 s8, $0x2;
	s12 =	sshrl.u32 s10, $0x1;
	s19 =	smul.u32 $0x101000, s8  }
0xc: {  	s17 =	sshll.u32 s8, $0x9;
	s21 =	smul.u32 $0x20200, s8;
	_ =	strace $0x80000047  }
0xd: {  	s18 =	ssub.s32 s10, s12;
	s20 =	sadd.s32 s3, s17;
	s22 =	sadd.s32 s6, s17  }
0xe: {  	s3 =	simm.s32 $0x3;
	s6 =	simm.s32 $0x0;
	[dreg:$0xc] =	wrdreg s20  }
0xf: {  	s9 =	sshrl.u32 s9, $0x3;
	[dreg:$0xd] =	wrdreg s22;
	s23 =	sshrl.u32 s19, $0x3  }
0x10: {  	s12 =	sadd.s32 s2, s21;
	s18 =	smax.u32 s18, $0x1;
	s20 =	simm.s32 $0x6  }
0x11: {  	s21 =	simm.s32 $0x1B080;
	s22 =	simm.s32 $0x1B100;
	s9 =	sadd.s32 s9, s1  }
0x12: {  	s1 =	sadd.s32 s11, s1;
	s11 =	sadd.s32 s7, s17;
	s24 =	sadd.s32 s2, s23  }
0x13: {  	s2 =	sadd.s32 s25, s2;
	s23 =	simm.s32 $0x100;
	s25 =	simm.s32 $0x20  }
0x14: {  	s9 =	sadd.s32 $0xE00, s9;
	s16 =	sadd.s32 $0xC00, s1;
	s1 =	sadd.s32 $0xA00, s1  }
0x15: {  	s13 =	sadd.s32 $0x1000, s24;
	s14 =	sadd.s32 $0x2000, s24;
	s15 =	sadd.s32 $0x1E000, s24  }
0x16: {  	s17 =	sadd.s32 $0x20000, s24;
	s26 =	sadd.s32 s4, s2;
	[dreg:$0x9] =	wrdreg s9  }
0x17: {  	s4 =	simm.s32 $0xA080;
	s2 =	simm.s32 $0x4;
	[dreg:$0xa] =	wrdreg s16  }
0x18: {  	[dreg:$0xb] =	wrdreg s1;
	s16 =	sadd.s32 $0x1F000, s24;
	s19 =	sadd.s32 $0x3000, s26  }
0x19: {  	s24 =	simm.s32 $0x2080;
	s26 =	simm.s32 $0x1B180;
	s1 =	simm.s32 $0x12080  }
.LBB2_1:
0x1a: {  	s7 =	rddreg [dreg:$0x9]  }
0x1b: {  	[tilespmem:s5], [sflag:$0x6] =	stream.linear.gather [hbm4b:s7+s5], $0x2020, $0x38;
	[tilespmem:$0x1C180] =	vst v63  }
0x1c: {  	_ =	swait.ge [sflag:s20], $0x2020  }
0x1d: {  	[sflag:s20] =	ssyncset.done $0x0  }
0x1e: {  	s10 =	rddreg [dreg:$0xa];
	[sflag:s20] =	ssyncadd.s32 $0xFFFFDFE0  }
0x1f: {  	[tilespmem:s21], [sflag:$0x6] =	stream.linear.gather [hbm4b:s10+s5], $0x20, $0x38;
	[tilespmem:$0x1C180] =	vst v63  }
0x20: {  	_ =	swait.ge [sflag:s20], $0x20  }
0x21: {  	[sflag:s20] =	ssyncset.done $0x0  }
0x22: {  	s8 =	rddreg [dreg:$0xb];
	[sflag:s20] =	ssyncadd.s32 $0xFFFFFFE0  }
0x23: {  	[tilespmem:s22], [sflag:$0x6] =	stream.linear.gather [hbm4b:s8+s5], $0x20, $0x38;
	[tilespmem:$0x1C180] =	vst v63  }
0x24: {  	_ =	swait.ge [sflag:s20], $0x20  }
0x25: {  	[sflag:s20] =	ssyncset.done $0x0  }
0x26: {  	[sflag:s20] =	ssyncadd.s32 $0xFFFFFFE0  }
0x27: {  	[tilespmem:s24], [sflag:$0x2] =	stream.indirect.gather [hbm4b:s0+s23], $0x80, s5, s23, $0xb8;
	[tilespmem:$0x1C180] =	vst v63  }
0x28: {  	_ = 	snop  }
0x29: {  	[tilespmem:s26], [sflag:$0x1] =	stream.indirect.gather [hbm4b:s0+s25], $0x80, s21, s25, $0xb8;
	[tilespmem:$0x1C180] =	vst v63  }
0x2a: {  	_ =	swait.ge [sflag:s28], $0x1000  }
0x2b: {  	[sflag:s28] =	ssyncset.done $0x0  }
0x2c: {  	s9 =	rddreg [dreg:$0xc];
	[sflag:s28] =	ssyncadd.s32 $0xFFFFF000  }
0x2d: {  	[hbm4b:s9+s5] =	stream.linear.scatter [tilespmem:s26], [sflag:$0x6], $0x1000, $0x38;
	[tilespmem:$0x1C180] =	vst v63  }
0x2e: {  	_ =	swait.ge [sflag:s20], $0x1000  }
0x2f: {  	[sflag:s20] =	ssyncset.done $0x0  }
0x30: {  	[sflag:s20] =	ssyncadd.s32 $0xFFFFF000  }
0x31: {  	s10 =	rddreg [dreg:$0x2]  }
0x32: {  	[tilespmem:s26], [sflag:$0x1] =	stream.indirect.gather [hbm4b:s10+s25], $0x80, s22, s25, $0xb8;
	[tilespmem:$0x1C180] =	vst v63  }
0x33: {  	_ =	swait.ge [sflag:s28], $0x1000  }
0x34: {  	[sflag:s28] =	ssyncset.done $0x0  }
0x35: {  	s8 =	rddreg [dreg:$0xd];
	[sflag:s28] =	ssyncadd.s32 $0xFFFFF000  }
0x36: {  	[hbm4b:s8+s5] =	stream.linear.scatter [tilespmem:s26], [sflag:$0x6], $0x1000, $0x38;
	[tilespmem:$0x1C180] =	vst v63  }
0x37: {  	_ =	swait.ge [sflag:s20], $0x1000  }
0x38: {  	[sflag:s20] =	ssyncset.done $0x0  }
0x39: {  	[sflag:s20] =	ssyncadd.s32 $0xFFFFF000  }
0x3a: {  	s9 =	rddreg [dreg:$0x3]  }
0x3b: {  	[tilespmem:s26], [sflag:$0x1] =	stream.indirect.gather [hbm4b:s9+s25], $0x80, s22, s25, $0xb8;
	[tilespmem:$0x1C180] =	vst v63  }
0x3c: {  	_ =	swait.ge [sflag:s28], $0x1000  }
0x3d: {  	[sflag:s28] =	ssyncset.done $0x0  }
0x3e: {  	[sflag:s28] =	ssyncadd.s32 $0xFFFFF000  }
0x3f: {  	[hbm4b:s11+s5] =	stream.linear.scatter [tilespmem:s26], [sflag:$0x6], $0x1000, $0x38;
	[tilespmem:$0x1C180] =	vst v63  }
0x40: {  	_ =	swait.ge [sflag:s20], $0x1000  }
0x41: {  	[sflag:s20] =	ssyncset.done $0x0  }
0x42: {  	s10 =	simm.s32 $0x2000;
	[sflag:s20] =	ssyncadd.s32 $0xFFFFF000  }
0x43: {  	[tilespmem:s30], [sflag:$0x1] =	stream.indirect.gather [hbm4b:s0+s25], $0x80, s10, s25, $0xb8;
	[tilespmem:$0x1C180] =	vst v63  }
0x44: {  	_ =	swait.ge [sflag:s31], $0x8000  }
0x45: {  	[sflag:s31] =	ssyncset.done $0x0  }
0x46: {  	[sflag:s31] =	ssyncadd.s32 $0xFFFF8000  }
0x47: {  	[tilespmem:s4], [sflag:$0x2] =	stream.indirect.gather [hbm4b:s0+s23], $0x80, s23, s23, $0xb8;
	[tilespmem:$0x1C180] =	vst v63  }
0x48: {  	_ = 	snop  }
0x49: {  	[hbm4b:s12+s5] =	stream.linear.scatter [tilespmem:s24], [sflag:$0x3], $0x8000, $0x38;
	[tilespmem:$0x1C180] =	vst v63  }
0x4a: {  	_ =	swait.ge [sflag:s31], $0x8000  }
0x4b: {  	[sflag:s31] =	ssyncset.done $0x0  }
0x4c: {  	s8 =	simm.s32 $0x200;
	[sflag:s31] =	ssyncadd.s32 $0xFFFF8000  }
0x4d: {  	[tilespmem:s1], [sflag:$0x2] =	stream.indirect.gather [hbm4b:s0+s23], $0x80, s8, s23, $0xb8;
	[tilespmem:$0x1C180] =	vst v63  }
0x4e: {  	_ = 	snop  }
0x4f: {  	[hbm4b:s13+s5] =	stream.linear.scatter [tilespmem:s4], [sflag:$0x4], $0x8000, $0x38;
	[tilespmem:$0x1C180] =	vst v63  }
0x50: {  	_ =	swait.ge [sflag:s31], $0x8000  }
0x51: {  	[sflag:s31] =	ssyncset.done $0x0  }
0x52: {  	[sflag:s31] =	ssyncadd.s32 $0xFFFF8000  }
0x53: {  	_ =	swait.ge [sflag:s3], $0x1000  }
0x54: {  	[sflag:s3] =	ssyncset.done $0x0  }
0x55: {  	s9 =	simm.s32 $0x300;
	[sflag:s3] =	ssyncadd.s32 $0xFFFFF000  }
0x56: {  	[tilespmem:s24], [sflag:$0x2] =	stream.indirect.gather [hbm4b:s0+s23], $0x80, s9, s23, $0xb8;
	[tilespmem:$0x1C180] =	vst v63  }
0x57: {  	_ = 	snop  }
0x58: {  	[hbm4b:s14+s5] =	stream.linear.scatter [tilespmem:s1], [sflag:$0x5], $0x8000, $0x38;
	[tilespmem:$0x1C180] =	vst v63  }
0x59: {  	_ =	swait.ge [sflag:s31], $0x8000  }
0x5a: {  	[sflag:s31] =	ssyncset.done $0x0  }
0x5b: {  	[sflag:s31] =	ssyncadd.s32 $0xFFFF8000  }
0x5c: {  	_ =	swait.ge [sflag:s2], $0x1000  }
0x5d: {  	[sflag:s2] =	ssyncset.done $0x0  }
0x5e: {  	s10 =	simm.s32 $0x400;
	[sflag:s2] =	ssyncadd.s32 $0xFFFFF000  }
0x5f: {  	[tilespmem:s4], [sflag:$0x2] =	stream.indirect.gather [hbm4b:s0+s23], $0x80, s10, s23, $0xb8;
	[tilespmem:$0x1C180] =	vst v63  }
0x60: {  	_ = 	snop  }
0x61: {  	[hbm4b:s19+s5] =	stream.linear.scatter [tilespmem:s24], [sflag:$0x3], $0x8000, $0x38;
	[tilespmem:$0x1C180] =	vst v63  }
0x62: {  	_ =	swait.ge [sflag:s31], $0x8000  }
0x63: {  	[sflag:s31] =	ssyncset.done $0x0  }
0x64: {  	[sflag:s31] =	ssyncadd.s32 $0xFFFF8000  }
0x65: {  	_ =	swait.ge [sflag:s29], $0x1000  }
0x66: {  	[sflag:s29] =	ssyncset.done $0x0  }
0x67: {  	s8 =	simm.s32 $0x500;
	[sflag:s29] =	ssyncadd.s32 $0xFFFFF000  }
0x68: {  	[tilespmem:s1], [sflag:$0x2] =	stream.indirect.gather [hbm4b:s0+s23], $0x80, s8, s23, $0xb8;
	[tilespmem:$0x1C180] =	vst v63  }
0x69: {  	s9 =	sadd.s32 $0x1000, s19  }
0x6a: {  	[hbm4b:s9+s5] =	stream.linear.scatter [tilespmem:s4], [sflag:$0x4], $0x8000, $0x38;
	[tilespmem:$0x1C180] =	vst v63  }
0x6b: {  	_ =	swait.ge [sflag:s31], $0x8000  }
0x6c: {  	[sflag:s31] =	ssyncset.done $0x0  }
0x6d: {  	[sflag:s31] =	ssyncadd.s32 $0xFFFF8000  }
0x6e: {  	_ =	swait.ge [sflag:s3], $0x1000  }
0x6f: {  	s7 =	simm.s32 $0xC00;
	s10 =	simm.s32 $0x600;
	[sflag:s3] =	ssyncset.done $0x0  }
0x70: {  	s8 =	sadd.s32 $0x3000, s19;
	s9 =	sadd.s32 $0x2000, s19;
	[sflag:s3] =	ssyncadd.s32 $0xFFFFF000  }
0x71: {  	[tilespmem:s24], [sflag:$0x2] =	stream.indirect.gather [hbm4b:s0+s23], $0x80, s10, s23, $0xb8;
	[tilespmem:$0x1C180] =	vst v63  }
.LBB2_2:
0x72: {  	[hbm4b:s9+s5] =	stream.linear.scatter [tilespmem:s1], [sflag:$0x5], $0x8000, $0x38;
	[tilespmem:$0x1C180] =	vst v63  }
0x73: {  	s9 =	smov.u32 s7  }
0x74: {  	p0 =	sne.s32 s7, $0x6000;
	s7 =	sadd.s32 $0xC00, s7;
	_ =	swait.ge [sflag:s31], $0x8000  }
0x75: {  	[sflag:s31] =	ssyncset.done $0x0  }
0x76: {  	[sflag:s31] =	ssyncadd.s32 $0xFFFF8000  }
0x77: {  	_ =	swait.ge [sflag:s2], $0x1000  }
0x78: {  	s9 =	sshra.s32 s9, $0x2;
	[sflag:s2] =	ssyncset.done $0x0  }
0x79: {  	s10 =	sadd.s32 $0x400, s9;
	[sflag:s2] =	ssyncadd.s32 $0xFFFFF000  }
0x7a: {  	[tilespmem:s4], [sflag:$0x2] =	stream.indirect.gather [hbm4b:s0+s23], $0x80, s10, s23, $0xb8;
	[tilespmem:$0x1C180] =	vst v63  }
0x7b: {  	_ = 	snop  }
0x7c: {  	[hbm4b:s8+s5] =	stream.linear.scatter [tilespmem:s24], [sflag:$0x3], $0x8000, $0x38;
	[tilespmem:$0x1C180] =	vst v63  }
0x7d: {  	_ =	swait.ge [sflag:s31], $0x8000  }
0x7e: {  	[sflag:s31] =	ssyncset.done $0x0  }
0x7f: {  	[sflag:s31] =	ssyncadd.s32 $0xFFFF8000  }
0x80: {  	_ =	swait.ge [sflag:s29], $0x1000  }
0x81: {  	[sflag:s29] =	ssyncset.done $0x0  }
0x82: {  	s10 =	sadd.s32 $0x500, s9;
	[sflag:s29] =	ssyncadd.s32 $0xFFFFF000  }
0x83: {  	[tilespmem:s1], [sflag:$0x2] =	stream.indirect.gather [hbm4b:s0+s23], $0x80, s10, s23, $0xb8;
	[tilespmem:$0x1C180] =	vst v63  }
0x84: {  	s10 =	sadd.s32 $0x1000, s8  }
0x85: {  	[hbm4b:s10+s5] =	stream.linear.scatter [tilespmem:s4], [sflag:$0x4], $0x8000, $0x38;
	[tilespmem:$0x1C180] =	vst v63  }
0x86: {  	_ =	swait.ge [sflag:s31], $0x8000  }
0x87: {  	[sflag:s31] =	ssyncset.done $0x0  }
0x88: {  	[sflag:s31] =	ssyncadd.s32 $0xFFFF8000  }
.Ltmp0:
0x89: {  	_ =	swait.ge [sflag:s3], $0x1000;
	(pc) =	sbr.rel @p0 .LBB2_2-.Ltmp0, $4  }
0x8a: {  	[sflag:s3] =	ssyncset.done $0x0  }
0x8b: {  	s9 =	sadd.s32 $0x600, s9;
	[sflag:s3] =	ssyncadd.s32 $0xFFFFF000  }
0x8c: {  	[tilespmem:s24], [sflag:$0x2] =	stream.indirect.gather [hbm4b:s0+s23], $0x80, s9, s23, $0xb8;
	[tilespmem:$0x1C180] =	vst v63  }
0x8d: {  	s9 =	sadd.s32 $0x2000, s8;
	s8 =	sadd.s32 $0x3000, s8  }
0x8e: {  	[hbm4b:s9+s5] =	stream.linear.scatter [tilespmem:s1], [sflag:$0x5], $0x8000, $0x38;
	[tilespmem:$0x1C180] =	vst v63  }
0x8f: {  	_ =	swait.ge [sflag:s31], $0x8000  }
0x90: {  	[sflag:s31] =	ssyncset.done $0x0  }
0x91: {  	[sflag:s31] =	ssyncadd.s32 $0xFFFF8000  }
0x92: {  	_ =	swait.ge [sflag:s2], $0x1000  }
0x93: {  	[sflag:s2] =	ssyncset.done $0x0  }
0x94: {  	s7 =	simm.s32 $0x1F00;
	[sflag:s2] =	ssyncadd.s32 $0xFFFFF000  }
0x95: {  	[tilespmem:s4], [sflag:$0x2] =	stream.indirect.gather [hbm4b:s0+s23], $0x80, s7, s23, $0xb8;
	[tilespmem:$0x1C180] =	vst v63  }
0x96: {  	_ = 	snop  }
0x97: {  	[hbm4b:s15+s5] =	stream.linear.scatter [tilespmem:s24], [sflag:$0x3], $0x8000, $0x38;
	[tilespmem:$0x1C180] =	vst v63  }
0x98: {  	_ =	swait.ge [sflag:s31], $0x8000  }
0x99: {  	[sflag:s31] =	ssyncset.done $0x0  }
0x9a: {  	[sflag:s31] =	ssyncadd.s32 $0xFFFF8000  }
0x9b: {  	_ =	swait.ge [sflag:s29], $0x1000  }
0x9c: {  	[sflag:s29] =	ssyncset.done $0x0  }
0x9d: {  	[sflag:s29] =	ssyncadd.s32 $0xFFFFF000  }
0x9e: {  	[hbm4b:s16+s5] =	stream.linear.scatter [tilespmem:s4], [sflag:$0x4], $0x8000, $0x38;
	[tilespmem:$0x1C180] =	vst v63  }
0x9f: {  	_ =	swait.ge [sflag:s3], $0x1000  }
0xa0: {  	[sflag:s3] =	ssyncset.done $0x0  }
0xa1: {  	[sflag:s3] =	ssyncadd.s32 $0xFFFFF000  }
0xa2: {  	_ =	swait.ge [sflag:s2], $0x1000  }
0xa3: {  	[sflag:s2] =	ssyncset.done $0x0  }
0xa4: {  	[sflag:s2] =	ssyncadd.s32 $0xFFFFF000  }
0xa5: {  	s6 =	sadd.s32 $0x1, s6;
	_ =	swait.ge [sflag:s28], $0x1000  }
0xa6: {  	p0 =	sne.s32 s6, s18;
	[sflag:s28] =	ssyncset.done $0x0  }
.Ltmp1:
0xa7: {  	[sflag:s28] =	ssyncadd.s32 $0xFFFFF000;
	(pc) =	sbr.rel @p0 .LBB2_1-.Ltmp1, $4  }
0xa8: {  	[hbm4b:s17+s5] =	stream.linear.scatter [tilespmem:s30], [sflag:$0x6], $0x1000, $0x38;
	[tilespmem:$0x1C180] =	vst v63  }
0xa9: {  	_ =	swait.ge [sflag:s20], $0x1000  }
0xaa: {  	[sflag:s20] =	ssyncset.done $0x0  }
0xab: {  	[sflag:s20] =	ssyncadd.s32 $0xFFFFF000  }
0xac: {  	_ =	sfence.sel $0x180000  }
0xad: {  	[bflag:$0x0] =	sbarrier.arrive $0xFFFF  }
0xae: {  	_ =	strace $0x90000047  }
0xaf: {  	s0 =	stileid.u32;
	[bflag:$0x2] =	sbarrier.arrive $0xFFFF  }
0xb0: {  	p0 =	sne.s32 s0, $0x0;
	s0 =	rddreg [dreg:$0x8]  }
0xb1: {  	s0 =	sadd.s32 @!p0 $0x100000, s0  }
0xb2: {  	[sflag:s0] =	ssyncadd.tile.s32 @!p0 $0x1;
	_ =	shalt  }
.Lfunc_end2:
_tile_overlayer_lowered:
.L_overlay_start_2:
0xb3: {  	(tag) =	ssettag $0x2  }
0xb4: {  	s0 =	rddreg [dreg:$0x0];
	s2 =	stileid.u32  }
0xb5: {  	s1 =	rddreg [dreg:$0x1];
	p0 =	sne.s32 s2, $0x0  }
0xb6: {  	s3 =	rddreg [dreg:$0x2];
	[bflag:$0x3] =	sbarrier.arrive $0xFFFF;
	s2 =	simm.s32 @!p0 $0x1C06  }
0xb7: {  	[timem:s3], [sflag:s2] =	dma.local @!p0 [hbm:s0], s1  }
0xb8: {  	s0 =	simm.s32 @!p0 $0x6  }
0xb9: {  	_ =	swait.ge @!p0 [sflag:s0], s1  }
0xba: {  	s1 =	ssub.s32 @!p0 $0x0, s1;
	[sflag:s0] =	ssyncset.done @!p0 $0x0  }
0xbb: {  	[sflag:s0] =	ssyncadd.s32 @!p0 s1  }
0xbc: {  	[bflag:$0x3] =	sbarrier.arrive $0xFFFF  }
0xbd: {  	_ =	shalt  }

</sc_bundles>
